<compile_context>
chip_gen: v7x
topology: tpu7x:2x2x1
jax: 0.10.2.dev20260603
libtpu: 0.0.44.dev20260713+nightly
codegen_flags: <defaults>
</compile_context>

<pallas_src>
import jax
import jax.numpy as jnp
from jax import lax
from jax.experimental import pallas as pl
from jax.experimental.pallas import tpu as pltpu
from jax.experimental.pallas import tpu_sc as plsc

_NUM_FIELDS = 26
_FIELD_DIM = 100000
_BATCH = 16384
_NC = 2
_NS = 16
_L = 16
_FPC = _NUM_FIELDS // _NC
_RPT = _BATCH // _NS
_CHUNK = 2048
_NCHUNK = _BATCH // _CHUNK


def _body(xt_hbm, w2_hbm, bias_hbm, out_hbm,
          tv, xi0, xi1, xi2, vc0, vc1, vc2, spm, acc,
          tmp0, tmp1, tmp2, tmp3, bias_v,
          sem, sem2, sem3, semb):
    c = lax.axis_index("c")
    s = lax.axis_index("s")
    f = s * _NC + c

    hb = pltpu.async_copy(bias_hbm, bias_v, semb)

    @pl.when(s < _FPC)
    def _gather_phase():
        xis = (xi0, xi1, xi2)
        vcs = (vc0, vc1, vc2)
        h1 = pltpu.async_copy(w2_hbm.at[f], tv, sem)
        hxs = [pltpu.async_copy(
                   xt_hbm.at[f, pl.ds(k * _CHUNK, _CHUNK)], xis[k], sem2)
               for k in range(2)]
        h1.wait()
        pubs = []
        for chunk in range(_NCHUNK):
            hxs[chunk].wait()
            if chunk + 2 < _NCHUNK:
                hxs.append(pltpu.async_copy(
                    xt_hbm.at[f, pl.ds((chunk + 2) * _CHUNK, _CHUNK)],
                    xis[(chunk + 2) % 3], sem2))
            xc = xis[chunk % 3]
            vc = vcs[chunk % 3]
            if chunk >= 3:
                pubs[chunk - 3].wait()

            @plsc.parallel_loop(0, _CHUNK, step=_L, unroll=16)
            def _gather(i):
                vc[pl.ds(i, _L)] = plsc.load_gather(tv, [xc[pl.ds(i, _L)]])

            pubs.append(pltpu.async_copy(
                vc, spm.at[pl.ds(s * _BATCH + chunk * _CHUNK, _CHUNK)],
                sem3))
        for p in pubs[-3:]:
            p.wait()

    plsc.subcore_barrier()

    rbase = s * _RPT
    hb.wait()
    bias_vec = bias_v[...] * (1 - c).astype(jnp.float32)

    @plsc.parallel_loop(0, _RPT, step=_L, unroll=8)
    def _init(j):
        acc[pl.ds(j, _L)] = bias_vec

    tmps = (tmp0, tmp1, tmp2, tmp3)
    hs = [pltpu.async_copy(
              spm.at[pl.ds(k * _BATCH + rbase, _RPT)], tmps[k], sem)
          for k in range(3)]
    for k in range(_FPC):
        hs[k].wait()
        if k + 3 < _FPC:
            hs.append(pltpu.async_copy(
                spm.at[pl.ds((k + 3) * _BATCH + rbase, _RPT)],
                tmps[(k + 3) % 4], sem))
        t = tmps[k % 4]

        @plsc.parallel_loop(0, _RPT, step=_L, unroll=8)
        def _red(j):
            acc[pl.ds(j, _L)] = acc[pl.ds(j, _L)] + t[pl.ds(j, _L)]

    pltpu.sync_copy(acc, out_hbm.at[c, pl.ds(rbase, _RPT)])


def kernel(x, W, bias):
    xt = x.T
    w2 = W.reshape(_NUM_FIELDS, _FIELD_DIM)
    bias16 = jnp.broadcast_to(bias, (_L,)).astype(jnp.float32)

    mesh = plsc.VectorSubcoreMesh(
        core_axis_name="c", subcore_axis_name="s",
        num_cores=_NC, num_subcores=_NS,
    )
    fn = pl.kernel(
        _body,
        out_type=jax.ShapeDtypeStruct((_NC, _BATCH), jnp.float32),
        mesh=mesh,
        compiler_params=pltpu.CompilerParams(needs_layout_passes=False),
        scratch_types=[
            pltpu.VMEM((_FIELD_DIM,), jnp.float32),
            pltpu.VMEM((_CHUNK,), jnp.int32),
            pltpu.VMEM((_CHUNK,), jnp.int32),
            pltpu.VMEM((_CHUNK,), jnp.int32),
            pltpu.VMEM((_CHUNK,), jnp.float32),
            pltpu.VMEM((_CHUNK,), jnp.float32),
            pltpu.VMEM((_CHUNK,), jnp.float32),
            pltpu.VMEM_SHARED((_FPC * _BATCH,), jnp.float32),
            pltpu.VMEM((_RPT,), jnp.float32),
            pltpu.VMEM((_RPT,), jnp.float32),
            pltpu.VMEM((_RPT,), jnp.float32),
            pltpu.VMEM((_RPT,), jnp.float32),
            pltpu.VMEM((_RPT,), jnp.float32),
            pltpu.VMEM((_L,), jnp.float32),
            pltpu.SemaphoreType.DMA,
            pltpu.SemaphoreType.DMA,
            pltpu.SemaphoreType.DMA,
            pltpu.SemaphoreType.DMA,
        ],
    )
    partial = fn(xt, w2, bias16)
    return partial[0] + partial[1]

# --- scband reference (transcript-rebuilt; emitter-appended) ---
"""Pipeline reference for scband-lr-27711128994137 (READ-ONLY COPY).

The authoritative reference and input builder live on the scoring server;
editing this copy changes nothing except your own understanding.
"""

import jax, jax.numpy as jnp
import numpy as np

NUM_FIELDS = 26
FIELD_DIM = 100000
TOTAL_ROWS = NUM_FIELDS * FIELD_DIM
BATCH = 16384


def setup_inputs(seed: int = 0) -> dict:
    key = jax.random.key(seed)
    k1, k2, k3 = jax.random.split(key, 3)
    x = jax.random.randint(k1, (BATCH, NUM_FIELDS), 0, FIELD_DIM, dtype=jnp.int32)
    # FeaturesLinear parameters: nn.Embedding(sum(field_dims), 1) weight + bias
    W = jax.random.normal(k2, (TOTAL_ROWS, 1), dtype=jnp.float32) * 0.01
    bias = jnp.zeros((1,), dtype=jnp.float32)
    return {"x": x, "W": W, "bias": bias}


def reference(x, W, bias):
    # offsets = (0, *cumsum(field_dims)[:-1]) -- all fields same size here
    offsets = (jnp.arange(NUM_FIELDS, dtype=jnp.int32) * FIELD_DIM)[None, :]
    idx = x + offsets                      # [B, F] global row ids
    emb = jnp.take(W, idx, axis=0)         # [B, F, 1] gather (embedding lookup)
    score = jnp.sum(emb, axis=1) + bias    # [B, 1]
    return jnp.squeeze(score, axis=1)      # [B]

if __name__ == "__main__":
    import jax
    _d = setup_inputs()
    print(jax.jit(kernel)(*tuple(_d.values())))

</pallas_src>

<mosaic_0001>
#map = affine_map<(d0, d1) -> (0, 0)>
#map1 = affine_map<(d0, d1) -> (0)>
module attributes {stable_mosaic.version = 14 : i64} {
  func.func @_body(%arg0: i32, %arg1: i32, %arg2: memref<26x16384xi32, #tpu.memory_space<hbm>>, %arg3: memref<26x100000xf32, #tpu.memory_space<hbm>>, %arg4: memref<16xf32, #tpu.memory_space<hbm>>, %arg5: memref<2x16384xf32, #tpu.memory_space<hbm>>, %arg6: memref<100000xf32, #tpu.memory_space<vmem>>, %arg7: memref<2048xi32, #tpu.memory_space<vmem>>, %arg8: memref<2048xi32, #tpu.memory_space<vmem>>, %arg9: memref<2048xi32, #tpu.memory_space<vmem>>, %arg10: memref<2048xf32, #tpu.memory_space<vmem>>, %arg11: memref<2048xf32, #tpu.memory_space<vmem>>, %arg12: memref<2048xf32, #tpu.memory_space<vmem>>, %arg13: memref<212992xf32, #tpu.memory_space<vmem_shared>>, %arg14: memref<1024xf32, #tpu.memory_space<vmem>>, %arg15: memref<1024xf32, #tpu.memory_space<vmem>>, %arg16: memref<1024xf32, #tpu.memory_space<vmem>>, %arg17: memref<1024xf32, #tpu.memory_space<vmem>>, %arg18: memref<1024xf32, #tpu.memory_space<vmem>>, %arg19: memref<16xf32, #tpu.memory_space<vmem>>, %arg20: memref<!tpu.dma_semaphore, #tpu.memory_space<semaphore_mem>>, %arg21: memref<!tpu.dma_semaphore, #tpu.memory_space<semaphore_mem>>, %arg22: memref<!tpu.dma_semaphore, #tpu.memory_space<semaphore_mem>>, %arg23: memref<!tpu.dma_semaphore, #tpu.memory_space<semaphore_mem>>) attributes {dimension_semantics = [#tpu.dimension_semantics<core_parallel>, #tpu.dimension_semantics<subcore_parallel>], iteration_bounds = array<i64: 2, 16>, scalar_prefetch = 0 : i64, scratch_operands = 18 : i64, tpu.core_type = #tpu.core_type<sc_vector_subcore>, window_params = [{transform_indices = #map}, {transform_indices = #map}, {transform_indices = #map1}, {transform_indices = #map}]} {
    %mul3A = arith.constant 2 : i32
    %mul3A_0 = arith.muli %arg1, %mul3A : i32
    %add3A = arith.addi %mul3A_0, %arg0 : i32
    tpu.enqueue_dma source(%arg4 : memref<16xf32, #tpu.memory_space<hbm>>) target(%arg19 : memref<16xf32, #tpu.memory_space<vmem>>) target_semaphore(%arg23 : memref<!tpu.dma_semaphore, #tpu.memory_space<semaphore_mem>>)
    %lt3A = arith.constant 13 : i32
    %lt3A_1 = arith.cmpi slt, %arg1, %lt3A : i32
    %convert_element_type3A = arith.extui %lt3A_1 : i1 to i32
    %cond3A = arith.constant 0 : i32
    %cond3A_2 = arith.cmpi ne, %convert_element_type3A, %cond3A : i32
    scf.if %cond3A_2 {
      %dma_start3A_127 = arith.constant 0 : i32
      %dma_start3A_128 = tpu.memref_slice %arg3[%add3A, %dma_start3A_127] : memref<26x100000xf32, #tpu.memory_space<hbm>> -> memref<1x100000xf32, #tpu.memory_space<hbm>>
      %dma_start3A_129 = tpu.memref_squeeze %dma_start3A_128 : memref<1x100000xf32, #tpu.memory_space<hbm>> -> memref<100000xf32, #tpu.memory_space<hbm>>
      %dma_start3A_130 = arith.constant 0 : i32
      %dma_start3A_131 = tpu.memref_slice %arg3[%add3A, %dma_start3A_130] : memref<26x100000xf32, #tpu.memory_space<hbm>> -> memref<1x100000xf32, #tpu.memory_space<hbm>>
      %dma_start3A_132 = tpu.memref_squeeze %dma_start3A_131 : memref<1x100000xf32, #tpu.memory_space<hbm>> -> memref<100000xf32, #tpu.memory_space<hbm>>
      tpu.enqueue_dma source(%dma_start3A_132 : memref<100000xf32, #tpu.memory_space<hbm>>) target(%arg6 : memref<100000xf32, #tpu.memory_space<vmem>>) target_semaphore(%arg20 : memref<!tpu.dma_semaphore, #tpu.memory_space<semaphore_mem>>)
      %dma_start3A_133 = arith.constant 0 : i32
      %dma_start3A_134 = tpu.memref_slice %arg2[%add3A, %dma_start3A_133] : memref<26x16384xi32, #tpu.memory_space<hbm>> -> memref<1x2048xi32, #tpu.memory_space<hbm>>
      %dma_start3A_135 = tpu.memref_squeeze %dma_start3A_134 : memref<1x2048xi32, #tpu.memory_space<hbm>> -> memref<2048xi32, #tpu.memory_space<hbm>>
      %dma_start3A_136 = arith.constant 0 : i32
      %dma_start3A_137 = tpu.memref_slice %arg2[%add3A, %dma_start3A_136] : memref<26x16384xi32, #tpu.memory_space<hbm>> -> memref<1x2048xi32, #tpu.memory_space<hbm>>
      %dma_start3A_138 = tpu.memref_squeeze %dma_start3A_137 : memref<1x2048xi32, #tpu.memory_space<hbm>> -> memref<2048xi32, #tpu.memory_space<hbm>>
      tpu.enqueue_dma source(%dma_start3A_138 : memref<2048xi32, #tpu.memory_space<hbm>>) target(%arg7 : memref<2048xi32, #tpu.memory_space<vmem>>) target_semaphore(%arg21 : memref<!tpu.dma_semaphore, #tpu.memory_space<semaphore_mem>>)
      %dma_start3A_139 = arith.constant 2048 : i32
      %dma_start3A_140 = tpu.memref_slice %arg2[%add3A, %dma_start3A_139] : memref<26x16384xi32, #tpu.memory_space<hbm>> -> memref<1x2048xi32, #tpu.memory_space<hbm>>
      %dma_start3A_141 = tpu.memref_squeeze %dma_start3A_140 : memref<1x2048xi32, #tpu.memory_space<hbm>> -> memref<2048xi32, #tpu.memory_space<hbm>>
      %dma_start3A_142 = arith.constant 2048 : i32
      %dma_start3A_143 = tpu.memref_slice %arg2[%add3A, %dma_start3A_142] : memref<26x16384xi32, #tpu.memory_space<hbm>> -> memref<1x2048xi32, #tpu.memory_space<hbm>>
      %dma_start3A_144 = tpu.memref_squeeze %dma_start3A_143 : memref<1x2048xi32, #tpu.memory_space<hbm>> -> memref<2048xi32, #tpu.memory_space<hbm>>
      tpu.enqueue_dma source(%dma_start3A_144 : memref<2048xi32, #tpu.memory_space<hbm>>) target(%arg8 : memref<2048xi32, #tpu.memory_space<vmem>>) target_semaphore(%arg21 : memref<!tpu.dma_semaphore, #tpu.memory_space<semaphore_mem>>)
      %dma_wait3A_145 = arith.constant 0 : i32
      %dma_wait3A_146 = tpu.memref_slice %arg3[%add3A, %dma_wait3A_145] : memref<26x100000xf32, #tpu.memory_space<hbm>> -> memref<1x100000xf32, #tpu.memory_space<hbm>>
      %dma_wait3A_147 = tpu.memref_squeeze %dma_wait3A_146 : memref<1x100000xf32, #tpu.memory_space<hbm>> -> memref<100000xf32, #tpu.memory_space<hbm>>
      %dma_wait3A_148 = arith.constant 0 : i32
      %dma_wait3A_149 = tpu.memref_slice %arg3[%add3A, %dma_wait3A_148] : memref<26x100000xf32, #tpu.memory_space<hbm>> -> memref<1x100000xf32, #tpu.memory_space<hbm>>
      %dma_wait3A_150 = tpu.memref_squeeze %dma_wait3A_149 : memref<1x100000xf32, #tpu.memory_space<hbm>> -> memref<100000xf32, #tpu.memory_space<hbm>>
      tpu.wait_dma2 semaphore(%arg20 : memref<!tpu.dma_semaphore, #tpu.memory_space<semaphore_mem>>) src(%dma_wait3A_150 : memref<100000xf32, #tpu.memory_space<hbm>>) dst(%arg6 : memref<100000xf32, #tpu.memory_space<vmem>>)
      %dma_wait3A_151 = arith.constant 0 : i32
      %dma_wait3A_152 = tpu.memref_slice %arg2[%add3A, %dma_wait3A_151] : memref<26x16384xi32, #tpu.memory_space<hbm>> -> memref<1x2048xi32, #tpu.memory_space<hbm>>
      %dma_wait3A_153 = tpu.memref_squeeze %dma_wait3A_152 : memref<1x2048xi32, #tpu.memory_space<hbm>> -> memref<2048xi32, #tpu.memory_space<hbm>>
      %dma_wait3A_154 = arith.constant 0 : i32
      %dma_wait3A_155 = tpu.memref_slice %arg2[%add3A, %dma_wait3A_154] : memref<26x16384xi32, #tpu.memory_space<hbm>> -> memref<1x2048xi32, #tpu.memory_space<hbm>>
      %dma_wait3A_156 = tpu.memref_squeeze %dma_wait3A_155 : memref<1x2048xi32, #tpu.memory_space<hbm>> -> memref<2048xi32, #tpu.memory_space<hbm>>
      tpu.wait_dma2 semaphore(%arg21 : memref<!tpu.dma_semaphore, #tpu.memory_space<semaphore_mem>>) src(%dma_wait3A_156 : memref<2048xi32, #tpu.memory_space<hbm>>) dst(%arg7 : memref<2048xi32, #tpu.memory_space<vmem>>)
      %dma_start3A_157 = arith.constant 4096 : i32
      %dma_start3A_158 = tpu.memref_slice %arg2[%add3A, %dma_start3A_157] : memref<26x16384xi32, #tpu.memory_space<hbm>> -> memref<1x2048xi32, #tpu.memory_space<hbm>>
      %dma_start3A_159 = tpu.memref_squeeze %dma_start3A_158 : memref<1x2048xi32, #tpu.memory_space<hbm>> -> memref<2048xi32, #tpu.memory_space<hbm>>
      %dma_start3A_160 = arith.constant 4096 : i32
      %dma_start3A_161 = tpu.memref_slice %arg2[%add3A, %dma_start3A_160] : memref<26x16384xi32, #tpu.memory_space<hbm>> -> memref<1x2048xi32, #tpu.memory_space<hbm>>
      %dma_start3A_162 = tpu.memref_squeeze %dma_start3A_161 : memref<1x2048xi32, #tpu.memory_space<hbm>> -> memref<2048xi32, #tpu.memory_space<hbm>>
      tpu.enqueue_dma source(%dma_start3A_162 : memref<2048xi32, #tpu.memory_space<hbm>>) target(%arg9 : memref<2048xi32, #tpu.memory_space<vmem>>) target_semaphore(%arg21 : memref<!tpu.dma_semaphore, #tpu.memory_space<semaphore_mem>>)
      %parallel_loop3A_163 = arith.constant 0 : i32
      %parallel_loop3A_164 = arith.constant 2048 : i32
      %parallel_loop3A_165 = arith.constant 16 : i32
      scf.for %parallel_loop3A_323 = %parallel_loop3A_163 to %parallel_loop3A_164 step %parallel_loop3A_165  : i32 {
        %parallel_loop3A_324 = arith.index_cast %parallel_loop3A_323 : i32 to index
        %parallel_loop3A_325 = tpu.vector_load %arg7[%parallel_loop3A_324] {strides = array<i32>} : memref<2048xi32, #tpu.memory_space<vmem>>, vector<16xi32>,
        %parallel_loop3A_326 = tpu.vector_load_idx %arg6[%parallel_loop3A_325] : memref<100000xf32, #tpu.memory_space<vmem>>[vector<16xi32>], vector<16xf32>,
        %parallel_loop3A_327 = arith.index_cast %parallel_loop3A_323 : i32 to index
        %parallel_loop3A_328 = tpu.vector_load %arg10[%parallel_loop3A_327] {strides = array<i32>} : memref<2048xf32, #tpu.memory_space<vmem>>, vector<16xf32>,
        tpu.vector_store %arg10[%parallel_loop3A_327], %parallel_loop3A_326 {strides = array<i32>} : memref<2048xf32, #tpu.memory_space<vmem>>, vector<16xf32>,
      } {sc.loop_unroll_factor = 16 : i64, sc.parallel_access}
      %mul3A_166 = arith.constant 16384 : i32
      %mul3A_167 = arith.muli %arg1, %mul3A_166 : i32
      %add3A_168 = arith.constant 0 : i32
      %add3A_169 = arith.addi %mul3A_167, %add3A_168 : i32
      %dma_start3A_170 = tpu.memref_slice %arg13[%add3A_169] : memref<212992xf32, #tpu.memory_space<vmem_shared>> -> memref<2048xf32, #tpu.memory_space<vmem_shared>>
      %dma_start3A_171 = tpu.memref_slice %arg13[%add3A_169] : memref<212992xf32, #tpu.memory_space<vmem_shared>> -> memref<2048xf32, #tpu.memory_space<vmem_shared>>
      tpu.enqueue_dma source(%arg10 : memref<2048xf32, #tpu.memory_space<vmem>>) target(%dma_start3A_171 : memref<2048xf32, #tpu.memory_space<vmem_shared>>) target_semaphore(%arg22 : memref<!tpu.dma_semaphore, #tpu.memory_space<semaphore_mem>>)
      %dma_wait3A_172 = arith.constant 2048 : i32
      %dma_wait3A_173 = tpu.memref_slice %arg2[%add3A, %dma_wait3A_172] : memref<26x16384xi32, #tpu.memory_space<hbm>> -> memref<1x2048xi32, #tpu.memory_space<hbm>>
      %dma_wait3A_174 = tpu.memref_squeeze %dma_wait3A_173 : memref<1x2048xi32, #tpu.memory_space<hbm>> -> memref<2048xi32, #tpu.memory_space<hbm>>
      %dma_wait3A_175 = arith.constant 2048 : i32
      %dma_wait3A_176 = tpu.memref_slice %arg2[%add3A, %dma_wait3A_175] : memref<26x16384xi32, #tpu.memory_space<hbm>> -> memref<1x2048xi32, #tpu.memory_space<hbm>>
      %dma_wait3A_177 = tpu.memref_squeeze %dma_wait3A_176 : memref<1x2048xi32, #tpu.memory_space<hbm>> -> memref<2048xi32, #tpu.memory_space<hbm>>
      tpu.wait_dma2 semaphore(%arg21 : memref<!tpu.dma_semaphore, #tpu.memory_space<semaphore_mem>>) src(%dma_wait3A_177 : memref<2048xi32, #tpu.memory_space<hbm>>) dst(%arg8 : memref<2048xi32, #tpu.memory_space<vmem>>)
      %dma_start3A_178 = arith.constant 6144 : i32
      %dma_start3A_179 = tpu.memref_slice %arg2[%add3A, %dma_start3A_178] : memref<26x16384xi32, #tpu.memory_space<hbm>> -> memref<1x2048xi32, #tpu.memory_space<hbm>>
      %dma_start3A_180 = tpu.memref_squeeze %dma_start3A_179 : memref<1x2048xi32, #tpu.memory_space<hbm>> -> memref<2048xi32, #tpu.memory_space<hbm>>
      %dma_start3A_181 = arith.constant 6144 : i32
      %dma_start3A_182 = tpu.memref_slice %arg2[%add3A, %dma_start3A_181] : memref<26x16384xi32, #tpu.memory_space<hbm>> -> memref<1x2048xi32, #tpu.memory_space<hbm>>
      %dma_start3A_183 = tpu.memref_squeeze %dma_start3A_182 : memref<1x2048xi32, #tpu.memory_space<hbm>> -> memref<2048xi32, #tpu.memory_space<hbm>>
      tpu.enqueue_dma source(%dma_start3A_183 : memref<2048xi32, #tpu.memory_space<hbm>>) target(%arg7 : memref<2048xi32, #tpu.memory_space<vmem>>) target_semaphore(%arg21 : memref<!tpu.dma_semaphore, #tpu.memory_space<semaphore_mem>>)
      %parallel_loop3A_184 = arith.constant 0 : i32
      %parallel_loop3A_185 = arith.constant 2048 : i32
      %parallel_loop3A_186 = arith.constant 16 : i32
      scf.for %parallel_loop3A_323 = %parallel_loop3A_184 to %parallel_loop3A_185 step %parallel_loop3A_186  : i32 {
        %parallel_loop3A_324 = arith.index_cast %parallel_loop3A_323 : i32 to index
        %parallel_loop3A_325 = tpu.vector_load %arg8[%parallel_loop3A_324] {strides = array<i32>} : memref<2048xi32, #tpu.memory_space<vmem>>, vector<16xi32>,
        %parallel_loop3A_326 = tpu.vector_load_idx %arg6[%parallel_loop3A_325] : memref<100000xf32, #tpu.memory_space<vmem>>[vector<16xi32>], vector<16xf32>,
        %parallel_loop3A_327 = arith.index_cast %parallel_loop3A_323 : i32 to index
        %parallel_loop3A_328 = tpu.vector_load %arg11[%parallel_loop3A_327] {strides = array<i32>} : memref<2048xf32, #tpu.memory_space<vmem>>, vector<16xf32>,
        tpu.vector_store %arg11[%parallel_loop3A_327], %parallel_loop3A_326 {strides = array<i32>} : memref<2048xf32, #tpu.memory_space<vmem>>, vector<16xf32>,
      } {sc.loop_unroll_factor = 16 : i64, sc.parallel_access}
      %mul3A_187 = arith.constant 16384 : i32
      %mul3A_188 = arith.muli %arg1, %mul3A_187 : i32
      %add3A_189 = arith.constant 2048 : i32
      %add3A_190 = arith.addi %mul3A_188, %add3A_189 : i32
      %dma_start3A_191 = tpu.memref_slice %arg13[%add3A_190] : memref<212992xf32, #tpu.memory_space<vmem_shared>> -> memref<2048xf32, #tpu.memory_space<vmem_shared>>
      %dma_start3A_192 = tpu.memref_slice %arg13[%add3A_190] : memref<212992xf32, #tpu.memory_space<vmem_shared>> -> memref<2048xf32, #tpu.memory_space<vmem_shared>>
      tpu.enqueue_dma source(%arg11 : memref<2048xf32, #tpu.memory_space<vmem>>) target(%dma_start3A_192 : memref<2048xf32, #tpu.memory_space<vmem_shared>>) target_semaphore(%arg22 : memref<!tpu.dma_semaphore, #tpu.memory_space<semaphore_mem>>)
      %dma_wait3A_193 = arith.constant 4096 : i32
      %dma_wait3A_194 = tpu.memref_slice %arg2[%add3A, %dma_wait3A_193] : memref<26x16384xi32, #tpu.memory_space<hbm>> -> memref<1x2048xi32, #tpu.memory_space<hbm>>
      %dma_wait3A_195 = tpu.memref_squeeze %dma_wait3A_194 : memref<1x2048xi32, #tpu.memory_space<hbm>> -> memref<2048xi32, #tpu.memory_space<hbm>>
      %dma_wait3A_196 = arith.constant 4096 : i32
      %dma_wait3A_197 = tpu.memref_slice %arg2[%add3A, %dma_wait3A_196] : memref<26x16384xi32, #tpu.memory_space<hbm>> -> memref<1x2048xi32, #tpu.memory_space<hbm>>
      %dma_wait3A_198 = tpu.memref_squeeze %dma_wait3A_197 : memref<1x2048xi32, #tpu.memory_space<hbm>> -> memref<2048xi32, #tpu.memory_space<hbm>>
      tpu.wait_dma2 semaphore(%arg21 : memref<!tpu.dma_semaphore, #tpu.memory_space<semaphore_mem>>) src(%dma_wait3A_198 : memref<2048xi32, #tpu.memory_space<hbm>>) dst(%arg9 : memref<2048xi32, #tpu.memory_space<vmem>>)
      %dma_start3A_199 = arith.constant 8192 : i32
      %dma_start3A_200 = tpu.memref_slice %arg2[%add3A, %dma_start3A_199] : memref<26x16384xi32, #tpu.memory_space<hbm>> -> memref<1x2048xi32, #tpu.memory_space<hbm>>
      %dma_start3A_201 = tpu.memref_squeeze %dma_start3A_200 : memref<1x2048xi32, #tpu.memory_space<hbm>> -> memref<2048xi32, #tpu.memory_space<hbm>>
      %dma_start3A_202 = arith.constant 8192 : i32
      %dma_start3A_203 = tpu.memref_slice %arg2[%add3A, %dma_start3A_202] : memref<26x16384xi32, #tpu.memory_space<hbm>> -> memref<1x2048xi32, #tpu.memory_space<hbm>>
      %dma_start3A_204 = tpu.memref_squeeze %dma_start3A_203 : memref<1x2048xi32, #tpu.memory_space<hbm>> -> memref<2048xi32, #tpu.memory_space<hbm>>
      tpu.enqueue_dma source(%dma_start3A_204 : memref<2048xi32, #tpu.memory_space<hbm>>) target(%arg8 : memref<2048xi32, #tpu.memory_space<vmem>>) target_semaphore(%arg21 : memref<!tpu.dma_semaphore, #tpu.memory_space<semaphore_mem>>)
      %parallel_loop3A_205 = arith.constant 0 : i32
      %parallel_loop3A_206 = arith.constant 2048 : i32
      %parallel_loop3A_207 = arith.constant 16 : i32
      scf.for %parallel_loop3A_323 = %parallel_loop3A_205 to %parallel_loop3A_206 step %parallel_loop3A_207  : i32 {
        %parallel_loop3A_324 = arith.index_cast %parallel_loop3A_323 : i32 to index
        %parallel_loop3A_325 = tpu.vector_load %arg9[%parallel_loop3A_324] {strides = array<i32>} : memref<2048xi32, #tpu.memory_space<vmem>>, vector<16xi32>,
        %parallel_loop3A_326 = tpu.vector_load_idx %arg6[%parallel_loop3A_325] : memref<100000xf32, #tpu.memory_space<vmem>>[vector<16xi32>], vector<16xf32>,
        %parallel_loop3A_327 = arith.index_cast %parallel_loop3A_323 : i32 to index
        %parallel_loop3A_328 = tpu.vector_load %arg12[%parallel_loop3A_327] {strides = array<i32>} : memref<2048xf32, #tpu.memory_space<vmem>>, vector<16xf32>,
        tpu.vector_store %arg12[%parallel_loop3A_327], %parallel_loop3A_326 {strides = array<i32>} : memref<2048xf32, #tpu.memory_space<vmem>>, vector<16xf32>,
      } {sc.loop_unroll_factor = 16 : i64, sc.parallel_access}
      %mul3A_208 = arith.constant 16384 : i32
      %mul3A_209 = arith.muli %arg1, %mul3A_208 : i32
      %add3A_210 = arith.constant 4096 : i32
      %add3A_211 = arith.addi %mul3A_209, %add3A_210 : i32
      %dma_start3A_212 = tpu.memref_slice %arg13[%add3A_211] : memref<212992xf32, #tpu.memory_space<vmem_shared>> -> memref<2048xf32, #tpu.memory_space<vmem_shared>>
      %dma_start3A_213 = tpu.memref_slice %arg13[%add3A_211] : memref<212992xf32, #tpu.memory_space<vmem_shared>> -> memref<2048xf32, #tpu.memory_space<vmem_shared>>
      tpu.enqueue_dma source(%arg12 : memref<2048xf32, #tpu.memory_space<vmem>>) target(%dma_start3A_213 : memref<2048xf32, #tpu.memory_space<vmem_shared>>) target_semaphore(%arg22 : memref<!tpu.dma_semaphore, #tpu.memory_space<semaphore_mem>>)
      %dma_wait3A_214 = arith.constant 6144 : i32
      %dma_wait3A_215 = tpu.memref_slice %arg2[%add3A, %dma_wait3A_214] : memref<26x16384xi32, #tpu.memory_space<hbm>> -> memref<1x2048xi32, #tpu.memory_space<hbm>>
      %dma_wait3A_216 = tpu.memref_squeeze %dma_wait3A_215 : memref<1x2048xi32, #tpu.memory_space<hbm>> -> memref<2048xi32, #tpu.memory_space<hbm>>
      %dma_wait3A_217 = arith.constant 6144 : i32
      %dma_wait3A_218 = tpu.memref_slice %arg2[%add3A, %dma_wait3A_217] : memref<26x16384xi32, #tpu.memory_space<hbm>> -> memref<1x2048xi32, #tpu.memory_space<hbm>>
      %dma_wait3A_219 = tpu.memref_squeeze %dma_wait3A_218 : memref<1x2048xi32, #tpu.memory_space<hbm>> -> memref<2048xi32, #tpu.memory_space<hbm>>
      tpu.wait_dma2 semaphore(%arg21 : memref<!tpu.dma_semaphore, #tpu.memory_space<semaphore_mem>>) src(%dma_wait3A_219 : memref<2048xi32, #tpu.memory_space<hbm>>) dst(%arg7 : memref<2048xi32, #tpu.memory_space<vmem>>)
      %dma_start3A_220 = arith.constant 10240 : i32
      %dma_start3A_221 = tpu.memref_slice %arg2[%add3A, %dma_start3A_220] : memref<26x16384xi32, #tpu.memory_space<hbm>> -> memref<1x2048xi32, #tpu.memory_space<hbm>>
      %dma_start3A_222 = tpu.memref_squeeze %dma_start3A_221 : memref<1x2048xi32, #tpu.memory_space<hbm>> -> memref<2048xi32, #tpu.memory_space<hbm>>
      %dma_start3A_223 = arith.constant 10240 : i32
      %dma_start3A_224 = tpu.memref_slice %arg2[%add3A, %dma_start3A_223] : memref<26x16384xi32, #tpu.memory_space<hbm>> -> memref<1x2048xi32, #tpu.memory_space<hbm>>
      %dma_start3A_225 = tpu.memref_squeeze %dma_start3A_224 : memref<1x2048xi32, #tpu.memory_space<hbm>> -> memref<2048xi32, #tpu.memory_space<hbm>>
      tpu.enqueue_dma source(%dma_start3A_225 : memref<2048xi32, #tpu.memory_space<hbm>>) target(%arg9 : memref<2048xi32, #tpu.memory_space<vmem>>) target_semaphore(%arg21 : memref<!tpu.dma_semaphore, #tpu.memory_space<semaphore_mem>>)
      %dma_wait3A_226 = tpu.memref_slice %arg13[%add3A_169] : memref<212992xf32, #tpu.memory_space<vmem_shared>> -> memref<2048xf32, #tpu.memory_space<vmem_shared>>
      %dma_wait3A_227 = tpu.memref_slice %arg13[%add3A_169] : memref<212992xf32, #tpu.memory_space<vmem_shared>> -> memref<2048xf32, #tpu.memory_space<vmem_shared>>
      tpu.wait_dma2 semaphore(%arg22 : memref<!tpu.dma_semaphore, #tpu.memory_space<semaphore_mem>>) src(%arg10 : memref<2048xf32, #tpu.memory_space<vmem>>) dst(%dma_wait3A_227 : memref<2048xf32, #tpu.memory_space<vmem_shared>>)
      %parallel_loop3A_228 = arith.constant 0 : i32
      %parallel_loop3A_229 = arith.constant 2048 : i32
      %parallel_loop3A_230 = arith.constant 16 : i32
      scf.for %parallel_loop3A_323 = %parallel_loop3A_228 to %parallel_loop3A_229 step %parallel_loop3A_230  : i32 {
        %parallel_loop3A_324 = arith.index_cast %parallel_loop3A_323 : i32 to index
        %parallel_loop3A_325 = tpu.vector_load %arg7[%parallel_loop3A_324] {strides = array<i32>} : memref<2048xi32, #tpu.memory_space<vmem>>, vector<16xi32>,
        %parallel_loop3A_326 = tpu.vector_load_idx %arg6[%parallel_loop3A_325] : memref<100000xf32, #tpu.memory_space<vmem>>[vector<16xi32>], vector<16xf32>,
        %parallel_loop3A_327 = arith.index_cast %parallel_loop3A_323 : i32 to index
        %parallel_loop3A_328 = tpu.vector_load %arg10[%parallel_loop3A_327] {strides = array<i32>} : memref<2048xf32, #tpu.memory_space<vmem>>, vector<16xf32>,
        tpu.vector_store %arg10[%parallel_loop3A_327], %parallel_loop3A_326 {strides = array<i32>} : memref<2048xf32, #tpu.memory_space<vmem>>, vector<16xf32>,
      } {sc.loop_unroll_factor = 16 : i64, sc.parallel_access}
      %mul3A_231 = arith.constant 16384 : i32
      %mul3A_232 = arith.muli %arg1, %mul3A_231 : i32
      %add3A_233 = arith.constant 6144 : i32
      %add3A_234 = arith.addi %mul3A_232, %add3A_233 : i32
      %dma_start3A_235 = tpu.memref_slice %arg13[%add3A_234] : memref<212992xf32, #tpu.memory_space<vmem_shared>> -> memref<2048xf32, #tpu.memory_space<vmem_shared>>
      %dma_start3A_236 = tpu.memref_slice %arg13[%add3A_234] : memref<212992xf32, #tpu.memory_space<vmem_shared>> -> memref<2048xf32, #tpu.memory_space<vmem_shared>>
      tpu.enqueue_dma source(%arg10 : memref<2048xf32, #tpu.memory_space<vmem>>) target(%dma_start3A_236 : memref<2048xf32, #tpu.memory_space<vmem_shared>>) target_semaphore(%arg22 : memref<!tpu.dma_semaphore, #tpu.memory_space<semaphore_mem>>)
      %dma_wait3A_237 = arith.constant 8192 : i32
      %dma_wait3A_238 = tpu.memref_slice %arg2[%add3A, %dma_wait3A_237] : memref<26x16384xi32, #tpu.memory_space<hbm>> -> memref<1x2048xi32, #tpu.memory_space<hbm>>
      %dma_wait3A_239 = tpu.memref_squeeze %dma_wait3A_238 : memref<1x2048xi32, #tpu.memory_space<hbm>> -> memref<2048xi32, #tpu.memory_space<hbm>>
      %dma_wait3A_240 = arith.constant 8192 : i32
      %dma_wait3A_241 = tpu.memref_slice %arg2[%add3A, %dma_wait3A_240] : memref<26x16384xi32, #tpu.memory_space<hbm>> -> memref<1x2048xi32, #tpu.memory_space<hbm>>
      %dma_wait3A_242 = tpu.memref_squeeze %dma_wait3A_241 : memref<1x2048xi32, #tpu.memory_space<hbm>> -> memref<2048xi32, #tpu.memory_space<hbm>>
      tpu.wait_dma2 semaphore(%arg21 : memref<!tpu.dma_semaphore, #tpu.memory_space<semaphore_mem>>) src(%dma_wait3A_242 : memref<2048xi32, #tpu.memory_space<hbm>>) dst(%arg8 : memref<2048xi32, #tpu.memory_space<vmem>>)
      %dma_start3A_243 = arith.constant 12288 : i32
      %dma_start3A_244 = tpu.memref_slice %arg2[%add3A, %dma_start3A_243] : memref<26x16384xi32, #tpu.memory_space<hbm>> -> memref<1x2048xi32, #tpu.memory_space<hbm>>
      %dma_start3A_245 = tpu.memref_squeeze %dma_start3A_244 : memref<1x2048xi32, #tpu.memory_space<hbm>> -> memref<2048xi32, #tpu.memory_space<hbm>>
      %dma_start3A_246 = arith.constant 12288 : i32
      %dma_start3A_247 = tpu.memref_slice %arg2[%add3A, %dma_start3A_246] : memref<26x16384xi32, #tpu.memory_space<hbm>> -> memref<1x2048xi32, #tpu.memory_space<hbm>>
      %dma_start3A_248 = tpu.memref_squeeze %dma_start3A_247 : memref<1x2048xi32, #tpu.memory_space<hbm>> -> memref<2048xi32, #tpu.memory_space<hbm>>
      tpu.enqueue_dma source(%dma_start3A_248 : memref<2048xi32, #tpu.memory_space<hbm>>) target(%arg7 : memref<2048xi32, #tpu.memory_space<vmem>>) target_semaphore(%arg21 : memref<!tpu.dma_semaphore, #tpu.memory_space<semaphore_mem>>)
      %dma_wait3A_249 = tpu.memref_slice %arg13[%add3A_190] : memref<212992xf32, #tpu.memory_space<vmem_shared>> -> memref<2048xf32, #tpu.memory_space<vmem_shared>>
      %dma_wait3A_250 = tpu.memref_slice %arg13[%add3A_190] : memref<212992xf32, #tpu.memory_space<vmem_shared>> -> memref<2048xf32, #tpu.memory_space<vmem_shared>>
      tpu.wait_dma2 semaphore(%arg22 : memref<!tpu.dma_semaphore, #tpu.memory_space<semaphore_mem>>) src(%arg11 : memref<2048xf32, #tpu.memory_space<vmem>>) dst(%dma_wait3A_250 : memref<2048xf32, #tpu.memory_space<vmem_shared>>)
      %parallel_loop3A_251 = arith.constant 0 : i32
      %parallel_loop3A_252 = arith.constant 2048 : i32
      %parallel_loop3A_253 = arith.constant 16 : i32
      scf.for %parallel_loop3A_323 = %parallel_loop3A_251 to %parallel_loop3A_252 step %parallel_loop3A_253  : i32 {
        %parallel_loop3A_324 = arith.index_cast %parallel_loop3A_323 : i32 to index
        %parallel_loop3A_325 = tpu.vector_load %arg8[%parallel_loop3A_324] {strides = array<i32>} : memref<2048xi32, #tpu.memory_space<vmem>>, vector<16xi32>,
        %parallel_loop3A_326 = tpu.vector_load_idx %arg6[%parallel_loop3A_325] : memref<100000xf32, #tpu.memory_space<vmem>>[vector<16xi32>], vector<16xf32>,
        %parallel_loop3A_327 = arith.index_cast %parallel_loop3A_323 : i32 to index
        %parallel_loop3A_328 = tpu.vector_load %arg11[%parallel_loop3A_327] {strides = array<i32>} : memref<2048xf32, #tpu.memory_space<vmem>>, vector<16xf32>,
        tpu.vector_store %arg11[%parallel_loop3A_327], %parallel_loop3A_326 {strides = array<i32>} : memref<2048xf32, #tpu.memory_space<vmem>>, vector<16xf32>,
      } {sc.loop_unroll_factor = 16 : i64, sc.parallel_access}
      %mul3A_254 = arith.constant 16384 : i32
      %mul3A_255 = arith.muli %arg1, %mul3A_254 : i32
      %add3A_256 = arith.constant 8192 : i32
      %add3A_257 = arith.addi %mul3A_255, %add3A_256 : i32
      %dma_start3A_258 = tpu.memref_slice %arg13[%add3A_257] : memref<212992xf32, #tpu.memory_space<vmem_shared>> -> memref<2048xf32, #tpu.memory_space<vmem_shared>>
      %dma_start3A_259 = tpu.memref_slice %arg13[%add3A_257] : memref<212992xf32, #tpu.memory_space<vmem_shared>> -> memref<2048xf32, #tpu.memory_space<vmem_shared>>
      tpu.enqueue_dma source(%arg11 : memref<2048xf32, #tpu.memory_space<vmem>>) target(%dma_start3A_259 : memref<2048xf32, #tpu.memory_space<vmem_shared>>) target_semaphore(%arg22 : memref<!tpu.dma_semaphore, #tpu.memory_space<semaphore_mem>>)
      %dma_wait3A_260 = arith.constant 10240 : i32
      %dma_wait3A_261 = tpu.memref_slice %arg2[%add3A, %dma_wait3A_260] : memref<26x16384xi32, #tpu.memory_space<hbm>> -> memref<1x2048xi32, #tpu.memory_space<hbm>>
      %dma_wait3A_262 = tpu.memref_squeeze %dma_wait3A_261 : memref<1x2048xi32, #tpu.memory_space<hbm>> -> memref<2048xi32, #tpu.memory_space<hbm>>
      %dma_wait3A_263 = arith.constant 10240 : i32
      %dma_wait3A_264 = tpu.memref_slice %arg2[%add3A, %dma_wait3A_263] : memref<26x16384xi32, #tpu.memory_space<hbm>> -> memref<1x2048xi32, #tpu.memory_space<hbm>>
      %dma_wait3A_265 = tpu.memref_squeeze %dma_wait3A_264 : memref<1x2048xi32, #tpu.memory_space<hbm>> -> memref<2048xi32, #tpu.memory_space<hbm>>
      tpu.wait_dma2 semaphore(%arg21 : memref<!tpu.dma_semaphore, #tpu.memory_space<semaphore_mem>>) src(%dma_wait3A_265 : memref<2048xi32, #tpu.memory_space<hbm>>) dst(%arg9 : memref<2048xi32, #tpu.memory_space<vmem>>)
      %dma_start3A_266 = arith.constant 14336 : i32
      %dma_start3A_267 = tpu.memref_slice %arg2[%add3A, %dma_start3A_266] : memref<26x16384xi32, #tpu.memory_space<hbm>> -> memref<1x2048xi32, #tpu.memory_space<hbm>>
      %dma_start3A_268 = tpu.memref_squeeze %dma_start3A_267 : memref<1x2048xi32, #tpu.memory_space<hbm>> -> memref<2048xi32, #tpu.memory_space<hbm>>
      %dma_start3A_269 = arith.constant 14336 : i32
      %dma_start3A_270 = tpu.memref_slice %arg2[%add3A, %dma_start3A_269] : memref<26x16384xi32, #tpu.memory_space<hbm>> -> memref<1x2048xi32, #tpu.memory_space<hbm>>
      %dma_start3A_271 = tpu.memref_squeeze %dma_start3A_270 : memref<1x2048xi32, #tpu.memory_space<hbm>> -> memref<2048xi32, #tpu.memory_space<hbm>>
      tpu.enqueue_dma source(%dma_start3A_271 : memref<2048xi32, #tpu.memory_space<hbm>>) target(%arg8 : memref<2048xi32, #tpu.memory_space<vmem>>) target_semaphore(%arg21 : memref<!tpu.dma_semaphore, #tpu.memory_space<semaphore_mem>>)
      %dma_wait3A_272 = tpu.memref_slice %arg13[%add3A_211] : memref<212992xf32, #tpu.memory_space<vmem_shared>> -> memref<2048xf32, #tpu.memory_space<vmem_shared>>
      %dma_wait3A_273 = tpu.memref_slice %arg13[%add3A_211] : memref<212992xf32, #tpu.memory_space<vmem_shared>> -> memref<2048xf32, #tpu.memory_space<vmem_shared>>
      tpu.wait_dma2 semaphore(%arg22 : memref<!tpu.dma_semaphore, #tpu.memory_space<semaphore_mem>>) src(%arg12 : memref<2048xf32, #tpu.memory_space<vmem>>) dst(%dma_wait3A_273 : memref<2048xf32, #tpu.memory_space<vmem_shared>>)
      %parallel_loop3A_274 = arith.constant 0 : i32
      %parallel_loop3A_275 = arith.constant 2048 : i32
      %parallel_loop3A_276 = arith.constant 16 : i32
      scf.for %parallel_loop3A_323 = %parallel_loop3A_274 to %parallel_loop3A_275 step %parallel_loop3A_276  : i32 {
        %parallel_loop3A_324 = arith.index_cast %parallel_loop3A_323 : i32 to index
        %parallel_loop3A_325 = tpu.vector_load %arg9[%parallel_loop3A_324] {strides = array<i32>} : memref<2048xi32, #tpu.memory_space<vmem>>, vector<16xi32>,
        %parallel_loop3A_326 = tpu.vector_load_idx %arg6[%parallel_loop3A_325] : memref<100000xf32, #tpu.memory_space<vmem>>[vector<16xi32>], vector<16xf32>,
        %parallel_loop3A_327 = arith.index_cast %parallel_loop3A_323 : i32 to index
        %parallel_loop3A_328 = tpu.vector_load %arg12[%parallel_loop3A_327] {strides = array<i32>} : memref<2048xf32, #tpu.memory_space<vmem>>, vector<16xf32>,
        tpu.vector_store %arg12[%parallel_loop3A_327], %parallel_loop3A_326 {strides = array<i32>} : memref<2048xf32, #tpu.memory_space<vmem>>, vector<16xf32>,
      } {sc.loop_unroll_factor = 16 : i64, sc.parallel_access}
      %mul3A_277 = arith.constant 16384 : i32
      %mul3A_278 = arith.muli %arg1, %mul3A_277 : i32
      %add3A_279 = arith.constant 10240 : i32
      %add3A_280 = arith.addi %mul3A_278, %add3A_279 : i32
      %dma_start3A_281 = tpu.memref_slice %arg13[%add3A_280] : memref<212992xf32, #tpu.memory_space<vmem_shared>> -> memref<2048xf32, #tpu.memory_space<vmem_shared>>
      %dma_start3A_282 = tpu.memref_slice %arg13[%add3A_280] : memref<212992xf32, #tpu.memory_space<vmem_shared>> -> memref<2048xf32, #tpu.memory_space<vmem_shared>>
      tpu.enqueue_dma source(%arg12 : memref<2048xf32, #tpu.memory_space<vmem>>) target(%dma_start3A_282 : memref<2048xf32, #tpu.memory_space<vmem_shared>>) target_semaphore(%arg22 : memref<!tpu.dma_semaphore, #tpu.memory_space<semaphore_mem>>)
      %dma_wait3A_283 = arith.constant 12288 : i32
      %dma_wait3A_284 = tpu.memref_slice %arg2[%add3A, %dma_wait3A_283] : memref<26x16384xi32, #tpu.memory_space<hbm>> -> memref<1x2048xi32, #tpu.memory_space<hbm>>
      %dma_wait3A_285 = tpu.memref_squeeze %dma_wait3A_284 : memref<1x2048xi32, #tpu.memory_space<hbm>> -> memref<2048xi32, #tpu.memory_space<hbm>>
      %dma_wait3A_286 = arith.constant 12288 : i32
      %dma_wait3A_287 = tpu.memref_slice %arg2[%add3A, %dma_wait3A_286] : memref<26x16384xi32, #tpu.memory_space<hbm>> -> memref<1x2048xi32, #tpu.memory_space<hbm>>
      %dma_wait3A_288 = tpu.memref_squeeze %dma_wait3A_287 : memref<1x2048xi32, #tpu.memory_space<hbm>> -> memref<2048xi32, #tpu.memory_space<hbm>>
      tpu.wait_dma2 semaphore(%arg21 : memref<!tpu.dma_semaphore, #tpu.memory_space<semaphore_mem>>) src(%dma_wait3A_288 : memref<2048xi32, #tpu.memory_space<hbm>>) dst(%arg7 : memref<2048xi32, #tpu.memory_space<vmem>>)
      %dma_wait3A_289 = tpu.memref_slice %arg13[%add3A_234] : memref<212992xf32, #tpu.memory_space<vmem_shared>> -> memref<2048xf32, #tpu.memory_space<vmem_shared>>
      %dma_wait3A_290 = tpu.memref_slice %arg13[%add3A_234] : memref<212992xf32, #tpu.memory_space<vmem_shared>> -> memref<2048xf32, #tpu.memory_space<vmem_shared>>
      tpu.wait_dma2 semaphore(%arg22 : memref<!tpu.dma_semaphore, #tpu.memory_space<semaphore_mem>>) src(%arg10 : memref<2048xf32, #tpu.memory_space<vmem>>) dst(%dma_wait3A_290 : memref<2048xf32, #tpu.memory_space<vmem_shared>>)
      %parallel_loop3A_291 = arith.constant 0 : i32
      %parallel_loop3A_292 = arith.constant 2048 : i32
      %parallel_loop3A_293 = arith.constant 16 : i32
      scf.for %parallel_loop3A_323 = %parallel_loop3A_291 to %parallel_loop3A_292 step %parallel_loop3A_293  : i32 {
        %parallel_loop3A_324 = arith.index_cast %parallel_loop3A_323 : i32 to index
        %parallel_loop3A_325 = tpu.vector_load %arg7[%parallel_loop3A_324] {strides = array<i32>} : memref<2048xi32, #tpu.memory_space<vmem>>, vector<16xi32>,
        %parallel_loop3A_326 = tpu.vector_load_idx %arg6[%parallel_loop3A_325] : memref<100000xf32, #tpu.memory_space<vmem>>[vector<16xi32>], vector<16xf32>,
        %parallel_loop3A_327 = arith.index_cast %parallel_loop3A_323 : i32 to index
        %parallel_loop3A_328 = tpu.vector_load %arg10[%parallel_loop3A_327] {strides = array<i32>} : memref<2048xf32, #tpu.memory_space<vmem>>, vector<16xf32>,
        tpu.vector_store %arg10[%parallel_loop3A_327], %parallel_loop3A_326 {strides = array<i32>} : memref<2048xf32, #tpu.memory_space<vmem>>, vector<16xf32>,
      } {sc.loop_unroll_factor = 16 : i64, sc.parallel_access}
      %mul3A_294 = arith.constant 16384 : i32
      %mul3A_295 = arith.muli %arg1, %mul3A_294 : i32
      %add3A_296 = arith.constant 12288 : i32
      %add3A_297 = arith.addi %mul3A_295, %add3A_296 : i32
      %dma_start3A_298 = tpu.memref_slice %arg13[%add3A_297] : memref<212992xf32, #tpu.memory_space<vmem_shared>> -> memref<2048xf32, #tpu.memory_space<vmem_shared>>
      %dma_start3A_299 = tpu.memref_slice %arg13[%add3A_297] : memref<212992xf32, #tpu.memory_space<vmem_shared>> -> memref<2048xf32, #tpu.memory_space<vmem_shared>>
      tpu.enqueue_dma source(%arg10 : memref<2048xf32, #tpu.memory_space<vmem>>) target(%dma_start3A_299 : memref<2048xf32, #tpu.memory_space<vmem_shared>>) target_semaphore(%arg22 : memref<!tpu.dma_semaphore, #tpu.memory_space<semaphore_mem>>)
      %dma_wait3A_300 = arith.constant 14336 : i32
      %dma_wait3A_301 = tpu.memref_slice %arg2[%add3A, %dma_wait3A_300] : memref<26x16384xi32, #tpu.memory_space<hbm>> -> memref<1x2048xi32, #tpu.memory_space<hbm>>
      %dma_wait3A_302 = tpu.memref_squeeze %dma_wait3A_301 : memref<1x2048xi32, #tpu.memory_space<hbm>> -> memref<2048xi32, #tpu.memory_space<hbm>>
      %dma_wait3A_303 = arith.constant 14336 : i32
      %dma_wait3A_304 = tpu.memref_slice %arg2[%add3A, %dma_wait3A_303] : memref<26x16384xi32, #tpu.memory_space<hbm>> -> memref<1x2048xi32, #tpu.memory_space<hbm>>
      %dma_wait3A_305 = tpu.memref_squeeze %dma_wait3A_304 : memref<1x2048xi32, #tpu.memory_space<hbm>> -> memref<2048xi32, #tpu.memory_space<hbm>>
      tpu.wait_dma2 semaphore(%arg21 : memref<!tpu.dma_semaphore, #tpu.memory_space<semaphore_mem>>) src(%dma_wait3A_305 : memref<2048xi32, #tpu.memory_space<hbm>>) dst(%arg8 : memref<2048xi32, #tpu.memory_space<vmem>>)
      %dma_wait3A_306 = tpu.memref_slice %arg13[%add3A_257] : memref<212992xf32, #tpu.memory_space<vmem_shared>> -> memref<2048xf32, #tpu.memory_space<vmem_shared>>
      %dma_wait3A_307 = tpu.memref_slice %arg13[%add3A_257] : memref<212992xf32, #tpu.memory_space<vmem_shared>> -> memref<2048xf32, #tpu.memory_space<vmem_shared>>
      tpu.wait_dma2 semaphore(%arg22 : memref<!tpu.dma_semaphore, #tpu.memory_space<semaphore_mem>>) src(%arg11 : memref<2048xf32, #tpu.memory_space<vmem>>) dst(%dma_wait3A_307 : memref<2048xf32, #tpu.memory_space<vmem_shared>>)
      %parallel_loop3A_308 = arith.constant 0 : i32
      %parallel_loop3A_309 = arith.constant 2048 : i32
      %parallel_loop3A_310 = arith.constant 16 : i32
      scf.for %parallel_loop3A_323 = %parallel_loop3A_308 to %parallel_loop3A_309 step %parallel_loop3A_310  : i32 {
        %parallel_loop3A_324 = arith.index_cast %parallel_loop3A_323 : i32 to index
        %parallel_loop3A_325 = tpu.vector_load %arg8[%parallel_loop3A_324] {strides = array<i32>} : memref<2048xi32, #tpu.memory_space<vmem>>, vector<16xi32>,
        %parallel_loop3A_326 = tpu.vector_load_idx %arg6[%parallel_loop3A_325] : memref<100000xf32, #tpu.memory_space<vmem>>[vector<16xi32>], vector<16xf32>,
        %parallel_loop3A_327 = arith.index_cast %parallel_loop3A_323 : i32 to index
        %parallel_loop3A_328 = tpu.vector_load %arg11[%parallel_loop3A_327] {strides = array<i32>} : memref<2048xf32, #tpu.memory_space<vmem>>, vector<16xf32>,
        tpu.vector_store %arg11[%parallel_loop3A_327], %parallel_loop3A_326 {strides = array<i32>} : memref<2048xf32, #tpu.memory_space<vmem>>, vector<16xf32>,
      } {sc.loop_unroll_factor = 16 : i64, sc.parallel_access}
      %mul3A_311 = arith.constant 16384 : i32
      %mul3A_312 = arith.muli %arg1, %mul3A_311 : i32
      %add3A_313 = arith.constant 14336 : i32
      %add3A_314 = arith.addi %mul3A_312, %add3A_313 : i32
      %dma_start3A_315 = tpu.memref_slice %arg13[%add3A_314] : memref<212992xf32, #tpu.memory_space<vmem_shared>> -> memref<2048xf32, #tpu.memory_space<vmem_shared>>
      %dma_start3A_316 = tpu.memref_slice %arg13[%add3A_314] : memref<212992xf32, #tpu.memory_space<vmem_shared>> -> memref<2048xf32, #tpu.memory_space<vmem_shared>>
      tpu.enqueue_dma source(%arg11 : memref<2048xf32, #tpu.memory_space<vmem>>) target(%dma_start3A_316 : memref<2048xf32, #tpu.memory_space<vmem_shared>>) target_semaphore(%arg22 : memref<!tpu.dma_semaphore, #tpu.memory_space<semaphore_mem>>)
      %dma_wait3A_317 = tpu.memref_slice %arg13[%add3A_280] : memref<212992xf32, #tpu.memory_space<vmem_shared>> -> memref<2048xf32, #tpu.memory_space<vmem_shared>>
      %dma_wait3A_318 = tpu.memref_slice %arg13[%add3A_280] : memref<212992xf32, #tpu.memory_space<vmem_shared>> -> memref<2048xf32, #tpu.memory_space<vmem_shared>>
      tpu.wait_dma2 semaphore(%arg22 : memref<!tpu.dma_semaphore, #tpu.memory_space<semaphore_mem>>) src(%arg12 : memref<2048xf32, #tpu.memory_space<vmem>>) dst(%dma_wait3A_318 : memref<2048xf32, #tpu.memory_space<vmem_shared>>)
      %dma_wait3A_319 = tpu.memref_slice %arg13[%add3A_297] : memref<212992xf32, #tpu.memory_space<vmem_shared>> -> memref<2048xf32, #tpu.memory_space<vmem_shared>>
      %dma_wait3A_320 = tpu.memref_slice %arg13[%add3A_297] : memref<212992xf32, #tpu.memory_space<vmem_shared>> -> memref<2048xf32, #tpu.memory_space<vmem_shared>>
      tpu.wait_dma2 semaphore(%arg22 : memref<!tpu.dma_semaphore, #tpu.memory_space<semaphore_mem>>) src(%arg10 : memref<2048xf32, #tpu.memory_space<vmem>>) dst(%dma_wait3A_320 : memref<2048xf32, #tpu.memory_space<vmem_shared>>)
      %dma_wait3A_321 = tpu.memref_slice %arg13[%add3A_314] : memref<212992xf32, #tpu.memory_space<vmem_shared>> -> memref<2048xf32, #tpu.memory_space<vmem_shared>>
      %dma_wait3A_322 = tpu.memref_slice %arg13[%add3A_314] : memref<212992xf32, #tpu.memory_space<vmem_shared>> -> memref<2048xf32, #tpu.memory_space<vmem_shared>>
      tpu.wait_dma2 semaphore(%arg22 : memref<!tpu.dma_semaphore, #tpu.memory_space<semaphore_mem>>) src(%arg11 : memref<2048xf32, #tpu.memory_space<vmem>>) dst(%dma_wait3A_322 : memref<2048xf32, #tpu.memory_space<vmem_shared>>)
    } else {
    }
    %barrier3A = arith.constant 0 : index
    tpu.barrier barrier_id(%barrier3A)
    %mul3A_3 = arith.constant 1024 : i32
    %mul3A_4 = arith.muli %arg1, %mul3A_3 : i32
    tpu.wait_dma2 semaphore(%arg23 : memref<!tpu.dma_semaphore, #tpu.memory_space<semaphore_mem>>) src(%arg4 : memref<16xf32, #tpu.memory_space<hbm>>) dst(%arg19 : memref<16xf32, #tpu.memory_space<vmem>>)
    %get3A = arith.constant 0 : index
    %get3A_5 = tpu.vector_load %arg19[%get3A] {strides = array<i32>} : memref<16xf32, #tpu.memory_space<vmem>>, vector<16xf32>,
    %sub3A = arith.constant 1 : i32
    %sub3A_6 = arith.subi %sub3A, %arg0 : i32
    %convert_element_type3A_7 = arith.sitofp %sub3A_6 : i32 to f32
    %mul3A_8 = vector.broadcast %convert_element_type3A_7 : f32 to vector<16xf32>
    %mul3A_9 = arith.mulf %get3A_5, %mul3A_8 : vector<16xf32>
    %parallel_loop3A = arith.constant 0 : i32
    %parallel_loop3A_10 = arith.constant 1024 : i32
    %parallel_loop3A_11 = arith.constant 16 : i32
    scf.for %parallel_loop3A_127 = %parallel_loop3A to %parallel_loop3A_10 step %parallel_loop3A_11  : i32 {
      %parallel_loop3A_128 = arith.index_cast %parallel_loop3A_127 : i32 to index
      %parallel_loop3A_129 = tpu.vector_load %arg14[%parallel_loop3A_128] {strides = array<i32>} : memref<1024xf32, #tpu.memory_space<vmem>>, vector<16xf32>,
      tpu.vector_store %arg14[%parallel_loop3A_128], %mul3A_9 {strides = array<i32>} : memref<1024xf32, #tpu.memory_space<vmem>>, vector<16xf32>,
    } {sc.loop_unroll_factor = 8 : i64, sc.parallel_access}
    %add3A_12 = arith.constant 0 : i32
    %add3A_13 = arith.addi %add3A_12, %mul3A_4 : i32
    %dma_start3A = tpu.memref_slice %arg13[%add3A_13] : memref<212992xf32, #tpu.memory_space<vmem_shared>> -> memref<1024xf32, #tpu.memory_space<vmem_shared>>
    %dma_start3A_14 = tpu.memref_slice %arg13[%add3A_13] : memref<212992xf32, #tpu.memory_space<vmem_shared>> -> memref<1024xf32, #tpu.memory_space<vmem_shared>>
    tpu.enqueue_dma source(%dma_start3A_14 : memref<1024xf32, #tpu.memory_space<vmem_shared>>) target(%arg15 : memref<1024xf32, #tpu.memory_space<vmem>>) target_semaphore(%arg20 : memref<!tpu.dma_semaphore, #tpu.memory_space<semaphore_mem>>)
    %add3A_15 = arith.constant 16384 : i32
    %add3A_16 = arith.addi %add3A_15, %mul3A_4 : i32
    %dma_start3A_17 = tpu.memref_slice %arg13[%add3A_16] : memref<212992xf32, #tpu.memory_space<vmem_shared>> -> memref<1024xf32, #tpu.memory_space<vmem_shared>>
    %dma_start3A_18 = tpu.memref_slice %arg13[%add3A_16] : memref<212992xf32, #tpu.memory_space<vmem_shared>> -> memref<1024xf32, #tpu.memory_space<vmem_shared>>
    tpu.enqueue_dma source(%dma_start3A_18 : memref<1024xf32, #tpu.memory_space<vmem_shared>>) target(%arg16 : memref<1024xf32, #tpu.memory_space<vmem>>) target_semaphore(%arg20 : memref<!tpu.dma_semaphore, #tpu.memory_space<semaphore_mem>>)
    %add3A_19 = arith.constant 32768 : i32
    %add3A_20 = arith.addi %add3A_19, %mul3A_4 : i32
    %dma_start3A_21 = tpu.memref_slice %arg13[%add3A_20] : memref<212992xf32, #tpu.memory_space<vmem_shared>> -> memref<1024xf32, #tpu.memory_space<vmem_shared>>
    %dma_start3A_22 = tpu.memref_slice %arg13[%add3A_20] : memref<212992xf32, #tpu.memory_space<vmem_shared>> -> memref<1024xf32, #tpu.memory_space<vmem_shared>>
    tpu.enqueue_dma source(%dma_start3A_22 : memref<1024xf32, #tpu.memory_space<vmem_shared>>) target(%arg17 : memref<1024xf32, #tpu.memory_space<vmem>>) target_semaphore(%arg20 : memref<!tpu.dma_semaphore, #tpu.memory_space<semaphore_mem>>)
    %dma_wait3A = tpu.memref_slice %arg13[%add3A_13] : memref<212992xf32, #tpu.memory_space<vmem_shared>> -> memref<1024xf32, #tpu.memory_space<vmem_shared>>
    %dma_wait3A_23 = tpu.memref_slice %arg13[%add3A_13] : memref<212992xf32, #tpu.memory_space<vmem_shared>> -> memref<1024xf32, #tpu.memory_space<vmem_shared>>
    tpu.wait_dma2 semaphore(%arg20 : memref<!tpu.dma_semaphore, #tpu.memory_space<semaphore_mem>>) src(%dma_wait3A_23 : memref<1024xf32, #tpu.memory_space<vmem_shared>>) dst(%arg15 : memref<1024xf32, #tpu.memory_space<vmem>>)
    %add3A_24 = arith.constant 49152 : i32
    %add3A_25 = arith.addi %add3A_24, %mul3A_4 : i32
    %dma_start3A_26 = tpu.memref_slice %arg13[%add3A_25] : memref<212992xf32, #tpu.memory_space<vmem_shared>> -> memref<1024xf32, #tpu.memory_space<vmem_shared>>
    %dma_start3A_27 = tpu.memref_slice %arg13[%add3A_25] : memref<212992xf32, #tpu.memory_space<vmem_shared>> -> memref<1024xf32, #tpu.memory_space<vmem_shared>>
    tpu.enqueue_dma source(%dma_start3A_27 : memref<1024xf32, #tpu.memory_space<vmem_shared>>) target(%arg18 : memref<1024xf32, #tpu.memory_space<vmem>>) target_semaphore(%arg20 : memref<!tpu.dma_semaphore, #tpu.memory_space<semaphore_mem>>)
    %parallel_loop3A_28 = arith.constant 0 : i32
    %parallel_loop3A_29 = arith.constant 1024 : i32
    %parallel_loop3A_30 = arith.constant 16 : i32
    scf.for %parallel_loop3A_127 = %parallel_loop3A_28 to %parallel_loop3A_29 step %parallel_loop3A_30  : i32 {
      %parallel_loop3A_128 = arith.index_cast %parallel_loop3A_127 : i32 to index
      %parallel_loop3A_129 = tpu.vector_load %arg14[%parallel_loop3A_128] {strides = array<i32>} : memref<1024xf32, #tpu.memory_space<vmem>>, vector<16xf32>,
      %parallel_loop3A_130 = arith.index_cast %parallel_loop3A_127 : i32 to index
      %parallel_loop3A_131 = tpu.vector_load %arg15[%parallel_loop3A_130] {strides = array<i32>} : memref<1024xf32, #tpu.memory_space<vmem>>, vector<16xf32>,
      %parallel_loop3A_132 = arith.addf %parallel_loop3A_129, %parallel_loop3A_131 : vector<16xf32>
      %parallel_loop3A_133 = arith.index_cast %parallel_loop3A_127 : i32 to index
      %parallel_loop3A_134 = tpu.vector_load %arg14[%parallel_loop3A_133] {strides = array<i32>} : memref<1024xf32, #tpu.memory_space<vmem>>, vector<16xf32>,
      tpu.vector_store %arg14[%parallel_loop3A_133], %parallel_loop3A_132 {strides = array<i32>} : memref<1024xf32, #tpu.memory_space<vmem>>, vector<16xf32>,
    } {sc.loop_unroll_factor = 8 : i64, sc.parallel_access}
    %dma_wait3A_31 = tpu.memref_slice %arg13[%add3A_16] : memref<212992xf32, #tpu.memory_space<vmem_shared>> -> memref<1024xf32, #tpu.memory_space<vmem_shared>>
    %dma_wait3A_32 = tpu.memref_slice %arg13[%add3A_16] : memref<212992xf32, #tpu.memory_space<vmem_shared>> -> memref<1024xf32, #tpu.memory_space<vmem_shared>>
    tpu.wait_dma2 semaphore(%arg20 : memref<!tpu.dma_semaphore, #tpu.memory_space<semaphore_mem>>) src(%dma_wait3A_32 : memref<1024xf32, #tpu.memory_space<vmem_shared>>) dst(%arg16 : memref<1024xf32, #tpu.memory_space<vmem>>)
    %add3A_33 = arith.constant 65536 : i32
    %add3A_34 = arith.addi %add3A_33, %mul3A_4 : i32
    %dma_start3A_35 = tpu.memref_slice %arg13[%add3A_34] : memref<212992xf32, #tpu.memory_space<vmem_shared>> -> memref<1024xf32, #tpu.memory_space<vmem_shared>>
    %dma_start3A_36 = tpu.memref_slice %arg13[%add3A_34] : memref<212992xf32, #tpu.memory_space<vmem_shared>> -> memref<1024xf32, #tpu.memory_space<vmem_shared>>
    tpu.enqueue_dma source(%dma_start3A_36 : memref<1024xf32, #tpu.memory_space<vmem_shared>>) target(%arg15 : memref<1024xf32, #tpu.memory_space<vmem>>) target_semaphore(%arg20 : memref<!tpu.dma_semaphore, #tpu.memory_space<semaphore_mem>>)
    %parallel_loop3A_37 = arith.constant 0 : i32
    %parallel_loop3A_38 = arith.constant 1024 : i32
    %parallel_loop3A_39 = arith.constant 16 : i32
    scf.for %parallel_loop3A_127 = %parallel_loop3A_37 to %parallel_loop3A_38 step %parallel_loop3A_39  : i32 {
      %parallel_loop3A_128 = arith.index_cast %parallel_loop3A_127 : i32 to index
      %parallel_loop3A_129 = tpu.vector_load %arg14[%parallel_loop3A_128] {strides = array<i32>} : memref<1024xf32, #tpu.memory_space<vmem>>, vector<16xf32>,
      %parallel_loop3A_130 = arith.index_cast %parallel_loop3A_127 : i32 to index
      %parallel_loop3A_131 = tpu.vector_load %arg16[%parallel_loop3A_130] {strides = array<i32>} : memref<1024xf32, #tpu.memory_space<vmem>>, vector<16xf32>,
      %parallel_loop3A_132 = arith.addf %parallel_loop3A_129, %parallel_loop3A_131 : vector<16xf32>
      %parallel_loop3A_133 = arith.index_cast %parallel_loop3A_127 : i32 to index
      %parallel_loop3A_134 = tpu.vector_load %arg14[%parallel_loop3A_133] {strides = array<i32>} : memref<1024xf32, #tpu.memory_space<vmem>>, vector<16xf32>,
      tpu.vector_store %arg14[%parallel_loop3A_133], %parallel_loop3A_132 {strides = array<i32>} : memref<1024xf32, #tpu.memory_space<vmem>>, vector<16xf32>,
    } {sc.loop_unroll_factor = 8 : i64, sc.parallel_access}
    %dma_wait3A_40 = tpu.memref_slice %arg13[%add3A_20] : memref<212992xf32, #tpu.memory_space<vmem_shared>> -> memref<1024xf32, #tpu.memory_space<vmem_shared>>
    %dma_wait3A_41 = tpu.memref_slice %arg13[%add3A_20] : memref<212992xf32, #tpu.memory_space<vmem_shared>> -> memref<1024xf32, #tpu.memory_space<vmem_shared>>
    tpu.wait_dma2 semaphore(%arg20 : memref<!tpu.dma_semaphore, #tpu.memory_space<semaphore_mem>>) src(%dma_wait3A_41 : memref<1024xf32, #tpu.memory_space<vmem_shared>>) dst(%arg17 : memref<1024xf32, #tpu.memory_space<vmem>>)
    %add3A_42 = arith.constant 81920 : i32
    %add3A_43 = arith.addi %add3A_42, %mul3A_4 : i32
    %dma_start3A_44 = tpu.memref_slice %arg13[%add3A_43] : memref<212992xf32, #tpu.memory_space<vmem_shared>> -> memref<1024xf32, #tpu.memory_space<vmem_shared>>
    %dma_start3A_45 = tpu.memref_slice %arg13[%add3A_43] : memref<212992xf32, #tpu.memory_space<vmem_shared>> -> memref<1024xf32, #tpu.memory_space<vmem_shared>>
    tpu.enqueue_dma source(%dma_start3A_45 : memref<1024xf32, #tpu.memory_space<vmem_shared>>) target(%arg16 : memref<1024xf32, #tpu.memory_space<vmem>>) target_semaphore(%arg20 : memref<!tpu.dma_semaphore, #tpu.memory_space<semaphore_mem>>)
    %parallel_loop3A_46 = arith.constant 0 : i32
    %parallel_loop3A_47 = arith.constant 1024 : i32
    %parallel_loop3A_48 = arith.constant 16 : i32
    scf.for %parallel_loop3A_127 = %parallel_loop3A_46 to %parallel_loop3A_47 step %parallel_loop3A_48  : i32 {
      %parallel_loop3A_128 = arith.index_cast %parallel_loop3A_127 : i32 to index
      %parallel_loop3A_129 = tpu.vector_load %arg14[%parallel_loop3A_128] {strides = array<i32>} : memref<1024xf32, #tpu.memory_space<vmem>>, vector<16xf32>,
      %parallel_loop3A_130 = arith.index_cast %parallel_loop3A_127 : i32 to index
      %parallel_loop3A_131 = tpu.vector_load %arg17[%parallel_loop3A_130] {strides = array<i32>} : memref<1024xf32, #tpu.memory_space<vmem>>, vector<16xf32>,
      %parallel_loop3A_132 = arith.addf %parallel_loop3A_129, %parallel_loop3A_131 : vector<16xf32>
      %parallel_loop3A_133 = arith.index_cast %parallel_loop3A_127 : i32 to index
      %parallel_loop3A_134 = tpu.vector_load %arg14[%parallel_loop3A_133] {strides = array<i32>} : memref<1024xf32, #tpu.memory_space<vmem>>, vector<16xf32>,
      tpu.vector_store %arg14[%parallel_loop3A_133], %parallel_loop3A_132 {strides = array<i32>} : memref<1024xf32, #tpu.memory_space<vmem>>, vector<16xf32>,
    } {sc.loop_unroll_factor = 8 : i64, sc.parallel_access}
    %dma_wait3A_49 = tpu.memref_slice %arg13[%add3A_25] : memref<212992xf32, #tpu.memory_space<vmem_shared>> -> memref<1024xf32, #tpu.memory_space<vmem_shared>>
    %dma_wait3A_50 = tpu.memref_slice %arg13[%add3A_25] : memref<212992xf32, #tpu.memory_space<vmem_shared>> -> memref<1024xf32, #tpu.memory_space<vmem_shared>>
    tpu.wait_dma2 semaphore(%arg20 : memref<!tpu.dma_semaphore, #tpu.memory_space<semaphore_mem>>) src(%dma_wait3A_50 : memref<1024xf32, #tpu.memory_space<vmem_shared>>) dst(%arg18 : memref<1024xf32, #tpu.memory_space<vmem>>)
    %add3A_51 = arith.constant 98304 : i32
    %add3A_52 = arith.addi %add3A_51, %mul3A_4 : i32
    %dma_start3A_53 = tpu.memref_slice %arg13[%add3A_52] : memref<212992xf32, #tpu.memory_space<vmem_shared>> -> memref<1024xf32, #tpu.memory_space<vmem_shared>>
    %dma_start3A_54 = tpu.memref_slice %arg13[%add3A_52] : memref<212992xf32, #tpu.memory_space<vmem_shared>> -> memref<1024xf32, #tpu.memory_space<vmem_shared>>
    tpu.enqueue_dma source(%dma_start3A_54 : memref<1024xf32, #tpu.memory_space<vmem_shared>>) target(%arg17 : memref<1024xf32, #tpu.memory_space<vmem>>) target_semaphore(%arg20 : memref<!tpu.dma_semaphore, #tpu.memory_space<semaphore_mem>>)
    %parallel_loop3A_55 = arith.constant 0 : i32
    %parallel_loop3A_56 = arith.constant 1024 : i32
    %parallel_loop3A_57 = arith.constant 16 : i32
    scf.for %parallel_loop3A_127 = %parallel_loop3A_55 to %parallel_loop3A_56 step %parallel_loop3A_57  : i32 {
      %parallel_loop3A_128 = arith.index_cast %parallel_loop3A_127 : i32 to index
      %parallel_loop3A_129 = tpu.vector_load %arg14[%parallel_loop3A_128] {strides = array<i32>} : memref<1024xf32, #tpu.memory_space<vmem>>, vector<16xf32>,
      %parallel_loop3A_130 = arith.index_cast %parallel_loop3A_127 : i32 to index
      %parallel_loop3A_131 = tpu.vector_load %arg18[%parallel_loop3A_130] {strides = array<i32>} : memref<1024xf32, #tpu.memory_space<vmem>>, vector<16xf32>,
      %parallel_loop3A_132 = arith.addf %parallel_loop3A_129, %parallel_loop3A_131 : vector<16xf32>
      %parallel_loop3A_133 = arith.index_cast %parallel_loop3A_127 : i32 to index
      %parallel_loop3A_134 = tpu.vector_load %arg14[%parallel_loop3A_133] {strides = array<i32>} : memref<1024xf32, #tpu.memory_space<vmem>>, vector<16xf32>,
      tpu.vector_store %arg14[%parallel_loop3A_133], %parallel_loop3A_132 {strides = array<i32>} : memref<1024xf32, #tpu.memory_space<vmem>>, vector<16xf32>,
    } {sc.loop_unroll_factor = 8 : i64, sc.parallel_access}
    %dma_wait3A_58 = tpu.memref_slice %arg13[%add3A_34] : memref<212992xf32, #tpu.memory_space<vmem_shared>> -> memref<1024xf32, #tpu.memory_space<vmem_shared>>
    %dma_wait3A_59 = tpu.memref_slice %arg13[%add3A_34] : memref<212992xf32, #tpu.memory_space<vmem_shared>> -> memref<1024xf32, #tpu.memory_space<vmem_shared>>
    tpu.wait_dma2 semaphore(%arg20 : memref<!tpu.dma_semaphore, #tpu.memory_space<semaphore_mem>>) src(%dma_wait3A_59 : memref<1024xf32, #tpu.memory_space<vmem_shared>>) dst(%arg15 : memref<1024xf32, #tpu.memory_space<vmem>>)
    %add3A_60 = arith.constant 114688 : i32
    %add3A_61 = arith.addi %add3A_60, %mul3A_4 : i32
    %dma_start3A_62 = tpu.memref_slice %arg13[%add3A_61] : memref<212992xf32, #tpu.memory_space<vmem_shared>> -> memref<1024xf32, #tpu.memory_space<vmem_shared>>
    %dma_start3A_63 = tpu.memref_slice %arg13[%add3A_61] : memref<212992xf32, #tpu.memory_space<vmem_shared>> -> memref<1024xf32, #tpu.memory_space<vmem_shared>>
    tpu.enqueue_dma source(%dma_start3A_63 : memref<1024xf32, #tpu.memory_space<vmem_shared>>) target(%arg18 : memref<1024xf32, #tpu.memory_space<vmem>>) target_semaphore(%arg20 : memref<!tpu.dma_semaphore, #tpu.memory_space<semaphore_mem>>)
    %parallel_loop3A_64 = arith.constant 0 : i32
    %parallel_loop3A_65 = arith.constant 1024 : i32
    %parallel_loop3A_66 = arith.constant 16 : i32
    scf.for %parallel_loop3A_127 = %parallel_loop3A_64 to %parallel_loop3A_65 step %parallel_loop3A_66  : i32 {
      %parallel_loop3A_128 = arith.index_cast %parallel_loop3A_127 : i32 to index
      %parallel_loop3A_129 = tpu.vector_load %arg14[%parallel_loop3A_128] {strides = array<i32>} : memref<1024xf32, #tpu.memory_space<vmem>>, vector<16xf32>,
      %parallel_loop3A_130 = arith.index_cast %parallel_loop3A_127 : i32 to index
      %parallel_loop3A_131 = tpu.vector_load %arg15[%parallel_loop3A_130] {strides = array<i32>} : memref<1024xf32, #tpu.memory_space<vmem>>, vector<16xf32>,
      %parallel_loop3A_132 = arith.addf %parallel_loop3A_129, %parallel_loop3A_131 : vector<16xf32>
      %parallel_loop3A_133 = arith.index_cast %parallel_loop3A_127 : i32 to index
      %parallel_loop3A_134 = tpu.vector_load %arg14[%parallel_loop3A_133] {strides = array<i32>} : memref<1024xf32, #tpu.memory_space<vmem>>, vector<16xf32>,
      tpu.vector_store %arg14[%parallel_loop3A_133], %parallel_loop3A_132 {strides = array<i32>} : memref<1024xf32, #tpu.memory_space<vmem>>, vector<16xf32>,
    } {sc.loop_unroll_factor = 8 : i64, sc.parallel_access}
    %dma_wait3A_67 = tpu.memref_slice %arg13[%add3A_43] : memref<212992xf32, #tpu.memory_space<vmem_shared>> -> memref<1024xf32, #tpu.memory_space<vmem_shared>>
    %dma_wait3A_68 = tpu.memref_slice %arg13[%add3A_43] : memref<212992xf32, #tpu.memory_space<vmem_shared>> -> memref<1024xf32, #tpu.memory_space<vmem_shared>>
    tpu.wait_dma2 semaphore(%arg20 : memref<!tpu.dma_semaphore, #tpu.memory_space<semaphore_mem>>) src(%dma_wait3A_68 : memref<1024xf32, #tpu.memory_space<vmem_shared>>) dst(%arg16 : memref<1024xf32, #tpu.memory_space<vmem>>)
    %add3A_69 = arith.constant 131072 : i32
    %add3A_70 = arith.addi %add3A_69, %mul3A_4 : i32
    %dma_start3A_71 = tpu.memref_slice %arg13[%add3A_70] : memref<212992xf32, #tpu.memory_space<vmem_shared>> -> memref<1024xf32, #tpu.memory_space<vmem_shared>>
    %dma_start3A_72 = tpu.memref_slice %arg13[%add3A_70] : memref<212992xf32, #tpu.memory_space<vmem_shared>> -> memref<1024xf32, #tpu.memory_space<vmem_shared>>
    tpu.enqueue_dma source(%dma_start3A_72 : memref<1024xf32, #tpu.memory_space<vmem_shared>>) target(%arg15 : memref<1024xf32, #tpu.memory_space<vmem>>) target_semaphore(%arg20 : memref<!tpu.dma_semaphore, #tpu.memory_space<semaphore_mem>>)
    %parallel_loop3A_73 = arith.constant 0 : i32
    %parallel_loop3A_74 = arith.constant 1024 : i32
    %parallel_loop3A_75 = arith.constant 16 : i32
    scf.for %parallel_loop3A_127 = %parallel_loop3A_73 to %parallel_loop3A_74 step %parallel_loop3A_75  : i32 {
      %parallel_loop3A_128 = arith.index_cast %parallel_loop3A_127 : i32 to index
      %parallel_loop3A_129 = tpu.vector_load %arg14[%parallel_loop3A_128] {strides = array<i32>} : memref<1024xf32, #tpu.memory_space<vmem>>, vector<16xf32>,
      %parallel_loop3A_130 = arith.index_cast %parallel_loop3A_127 : i32 to index
      %parallel_loop3A_131 = tpu.vector_load %arg16[%parallel_loop3A_130] {strides = array<i32>} : memref<1024xf32, #tpu.memory_space<vmem>>, vector<16xf32>,
      %parallel_loop3A_132 = arith.addf %parallel_loop3A_129, %parallel_loop3A_131 : vector<16xf32>
      %parallel_loop3A_133 = arith.index_cast %parallel_loop3A_127 : i32 to index
      %parallel_loop3A_134 = tpu.vector_load %arg14[%parallel_loop3A_133] {strides = array<i32>} : memref<1024xf32, #tpu.memory_space<vmem>>, vector<16xf32>,
      tpu.vector_store %arg14[%parallel_loop3A_133], %parallel_loop3A_132 {strides = array<i32>} : memref<1024xf32, #tpu.memory_space<vmem>>, vector<16xf32>,
    } {sc.loop_unroll_factor = 8 : i64, sc.parallel_access}
    %dma_wait3A_76 = tpu.memref_slice %arg13[%add3A_52] : memref<212992xf32, #tpu.memory_space<vmem_shared>> -> memref<1024xf32, #tpu.memory_space<vmem_shared>>
    %dma_wait3A_77 = tpu.memref_slice %arg13[%add3A_52] : memref<212992xf32, #tpu.memory_space<vmem_shared>> -> memref<1024xf32, #tpu.memory_space<vmem_shared>>
    tpu.wait_dma2 semaphore(%arg20 : memref<!tpu.dma_semaphore, #tpu.memory_space<semaphore_mem>>) src(%dma_wait3A_77 : memref<1024xf32, #tpu.memory_space<vmem_shared>>) dst(%arg17 : memref<1024xf32, #tpu.memory_space<vmem>>)
    %add3A_78 = arith.constant 147456 : i32
    %add3A_79 = arith.addi %add3A_78, %mul3A_4 : i32
    %dma_start3A_80 = tpu.memref_slice %arg13[%add3A_79] : memref<212992xf32, #tpu.memory_space<vmem_shared>> -> memref<1024xf32, #tpu.memory_space<vmem_shared>>
    %dma_start3A_81 = tpu.memref_slice %arg13[%add3A_79] : memref<212992xf32, #tpu.memory_space<vmem_shared>> -> memref<1024xf32, #tpu.memory_space<vmem_shared>>
    tpu.enqueue_dma source(%dma_start3A_81 : memref<1024xf32, #tpu.memory_space<vmem_shared>>) target(%arg16 : memref<1024xf32, #tpu.memory_space<vmem>>) target_semaphore(%arg20 : memref<!tpu.dma_semaphore, #tpu.memory_space<semaphore_mem>>)
    %parallel_loop3A_82 = arith.constant 0 : i32
    %parallel_loop3A_83 = arith.constant 1024 : i32
    %parallel_loop3A_84 = arith.constant 16 : i32
    scf.for %parallel_loop3A_127 = %parallel_loop3A_82 to %parallel_loop3A_83 step %parallel_loop3A_84  : i32 {
      %parallel_loop3A_128 = arith.index_cast %parallel_loop3A_127 : i32 to index
      %parallel_loop3A_129 = tpu.vector_load %arg14[%parallel_loop3A_128] {strides = array<i32>} : memref<1024xf32, #tpu.memory_space<vmem>>, vector<16xf32>,
      %parallel_loop3A_130 = arith.index_cast %parallel_loop3A_127 : i32 to index
      %parallel_loop3A_131 = tpu.vector_load %arg17[%parallel_loop3A_130] {strides = array<i32>} : memref<1024xf32, #tpu.memory_space<vmem>>, vector<16xf32>,
      %parallel_loop3A_132 = arith.addf %parallel_loop3A_129, %parallel_loop3A_131 : vector<16xf32>
      %parallel_loop3A_133 = arith.index_cast %parallel_loop3A_127 : i32 to index
      %parallel_loop3A_134 = tpu.vector_load %arg14[%parallel_loop3A_133] {strides = array<i32>} : memref<1024xf32, #tpu.memory_space<vmem>>, vector<16xf32>,
      tpu.vector_store %arg14[%parallel_loop3A_133], %parallel_loop3A_132 {strides = array<i32>} : memref<1024xf32, #tpu.memory_space<vmem>>, vector<16xf32>,
    } {sc.loop_unroll_factor = 8 : i64, sc.parallel_access}
    %dma_wait3A_85 = tpu.memref_slice %arg13[%add3A_61] : memref<212992xf32, #tpu.memory_space<vmem_shared>> -> memref<1024xf32, #tpu.memory_space<vmem_shared>>
    %dma_wait3A_86 = tpu.memref_slice %arg13[%add3A_61] : memref<212992xf32, #tpu.memory_space<vmem_shared>> -> memref<1024xf32, #tpu.memory_space<vmem_shared>>
    tpu.wait_dma2 semaphore(%arg20 : memref<!tpu.dma_semaphore, #tpu.memory_space<semaphore_mem>>) src(%dma_wait3A_86 : memref<1024xf32, #tpu.memory_space<vmem_shared>>) dst(%arg18 : memref<1024xf32, #tpu.memory_space<vmem>>)
    %add3A_87 = arith.constant 163840 : i32
    %add3A_88 = arith.addi %add3A_87, %mul3A_4 : i32
    %dma_start3A_89 = tpu.memref_slice %arg13[%add3A_88] : memref<212992xf32, #tpu.memory_space<vmem_shared>> -> memref<1024xf32, #tpu.memory_space<vmem_shared>>
    %dma_start3A_90 = tpu.memref_slice %arg13[%add3A_88] : memref<212992xf32, #tpu.memory_space<vmem_shared>> -> memref<1024xf32, #tpu.memory_space<vmem_shared>>
    tpu.enqueue_dma source(%dma_start3A_90 : memref<1024xf32, #tpu.memory_space<vmem_shared>>) target(%arg17 : memref<1024xf32, #tpu.memory_space<vmem>>) target_semaphore(%arg20 : memref<!tpu.dma_semaphore, #tpu.memory_space<semaphore_mem>>)
    %parallel_loop3A_91 = arith.constant 0 : i32
    %parallel_loop3A_92 = arith.constant 1024 : i32
    %parallel_loop3A_93 = arith.constant 16 : i32
    scf.for %parallel_loop3A_127 = %parallel_loop3A_91 to %parallel_loop3A_92 step %parallel_loop3A_93  : i32 {
      %parallel_loop3A_128 = arith.index_cast %parallel_loop3A_127 : i32 to index
      %parallel_loop3A_129 = tpu.vector_load %arg14[%parallel_loop3A_128] {strides = array<i32>} : memref<1024xf32, #tpu.memory_space<vmem>>, vector<16xf32>,
      %parallel_loop3A_130 = arith.index_cast %parallel_loop3A_127 : i32 to index
      %parallel_loop3A_131 = tpu.vector_load %arg18[%parallel_loop3A_130] {strides = array<i32>} : memref<1024xf32, #tpu.memory_space<vmem>>, vector<16xf32>,
      %parallel_loop3A_132 = arith.addf %parallel_loop3A_129, %parallel_loop3A_131 : vector<16xf32>
      %parallel_loop3A_133 = arith.index_cast %parallel_loop3A_127 : i32 to index
      %parallel_loop3A_134 = tpu.vector_load %arg14[%parallel_loop3A_133] {strides = array<i32>} : memref<1024xf32, #tpu.memory_space<vmem>>, vector<16xf32>,
      tpu.vector_store %arg14[%parallel_loop3A_133], %parallel_loop3A_132 {strides = array<i32>} : memref<1024xf32, #tpu.memory_space<vmem>>, vector<16xf32>,
    } {sc.loop_unroll_factor = 8 : i64, sc.parallel_access}
    %dma_wait3A_94 = tpu.memref_slice %arg13[%add3A_70] : memref<212992xf32, #tpu.memory_space<vmem_shared>> -> memref<1024xf32, #tpu.memory_space<vmem_shared>>
    %dma_wait3A_95 = tpu.memref_slice %arg13[%add3A_70] : memref<212992xf32, #tpu.memory_space<vmem_shared>> -> memref<1024xf32, #tpu.memory_space<vmem_shared>>
    tpu.wait_dma2 semaphore(%arg20 : memref<!tpu.dma_semaphore, #tpu.memory_space<semaphore_mem>>) src(%dma_wait3A_95 : memref<1024xf32, #tpu.memory_space<vmem_shared>>) dst(%arg15 : memref<1024xf32, #tpu.memory_space<vmem>>)
    %add3A_96 = arith.constant 180224 : i32
    %add3A_97 = arith.addi %add3A_96, %mul3A_4 : i32
    %dma_start3A_98 = tpu.memref_slice %arg13[%add3A_97] : memref<212992xf32, #tpu.memory_space<vmem_shared>> -> memref<1024xf32, #tpu.memory_space<vmem_shared>>
    %dma_start3A_99 = tpu.memref_slice %arg13[%add3A_97] : memref<212992xf32, #tpu.memory_space<vmem_shared>> -> memref<1024xf32, #tpu.memory_space<vmem_shared>>
    tpu.enqueue_dma source(%dma_start3A_99 : memref<1024xf32, #tpu.memory_space<vmem_shared>>) target(%arg18 : memref<1024xf32, #tpu.memory_space<vmem>>) target_semaphore(%arg20 : memref<!tpu.dma_semaphore, #tpu.memory_space<semaphore_mem>>)
    %parallel_loop3A_100 = arith.constant 0 : i32
    %parallel_loop3A_101 = arith.constant 1024 : i32
    %parallel_loop3A_102 = arith.constant 16 : i32
    scf.for %parallel_loop3A_127 = %parallel_loop3A_100 to %parallel_loop3A_101 step %parallel_loop3A_102  : i32 {
      %parallel_loop3A_128 = arith.index_cast %parallel_loop3A_127 : i32 to index
      %parallel_loop3A_129 = tpu.vector_load %arg14[%parallel_loop3A_128] {strides = array<i32>} : memref<1024xf32, #tpu.memory_space<vmem>>, vector<16xf32>,
      %parallel_loop3A_130 = arith.index_cast %parallel_loop3A_127 : i32 to index
      %parallel_loop3A_131 = tpu.vector_load %arg15[%parallel_loop3A_130] {strides = array<i32>} : memref<1024xf32, #tpu.memory_space<vmem>>, vector<16xf32>,
      %parallel_loop3A_132 = arith.addf %parallel_loop3A_129, %parallel_loop3A_131 : vector<16xf32>
      %parallel_loop3A_133 = arith.index_cast %parallel_loop3A_127 : i32 to index
      %parallel_loop3A_134 = tpu.vector_load %arg14[%parallel_loop3A_133] {strides = array<i32>} : memref<1024xf32, #tpu.memory_space<vmem>>, vector<16xf32>,
      tpu.vector_store %arg14[%parallel_loop3A_133], %parallel_loop3A_132 {strides = array<i32>} : memref<1024xf32, #tpu.memory_space<vmem>>, vector<16xf32>,
    } {sc.loop_unroll_factor = 8 : i64, sc.parallel_access}
    %dma_wait3A_103 = tpu.memref_slice %arg13[%add3A_79] : memref<212992xf32, #tpu.memory_space<vmem_shared>> -> memref<1024xf32, #tpu.memory_space<vmem_shared>>
    %dma_wait3A_104 = tpu.memref_slice %arg13[%add3A_79] : memref<212992xf32, #tpu.memory_space<vmem_shared>> -> memref<1024xf32, #tpu.memory_space<vmem_shared>>
    tpu.wait_dma2 semaphore(%arg20 : memref<!tpu.dma_semaphore, #tpu.memory_space<semaphore_mem>>) src(%dma_wait3A_104 : memref<1024xf32, #tpu.memory_space<vmem_shared>>) dst(%arg16 : memref<1024xf32, #tpu.memory_space<vmem>>)
    %add3A_105 = arith.constant 196608 : i32
    %add3A_106 = arith.addi %add3A_105, %mul3A_4 : i32
    %dma_start3A_107 = tpu.memref_slice %arg13[%add3A_106] : memref<212992xf32, #tpu.memory_space<vmem_shared>> -> memref<1024xf32, #tpu.memory_space<vmem_shared>>
    %dma_start3A_108 = tpu.memref_slice %arg13[%add3A_106] : memref<212992xf32, #tpu.memory_space<vmem_shared>> -> memref<1024xf32, #tpu.memory_space<vmem_shared>>
    tpu.enqueue_dma source(%dma_start3A_108 : memref<1024xf32, #tpu.memory_space<vmem_shared>>) target(%arg15 : memref<1024xf32, #tpu.memory_space<vmem>>) target_semaphore(%arg20 : memref<!tpu.dma_semaphore, #tpu.memory_space<semaphore_mem>>)
    %parallel_loop3A_109 = arith.constant 0 : i32
    %parallel_loop3A_110 = arith.constant 1024 : i32
    %parallel_loop3A_111 = arith.constant 16 : i32
    scf.for %parallel_loop3A_127 = %parallel_loop3A_109 to %parallel_loop3A_110 step %parallel_loop3A_111  : i32 {
      %parallel_loop3A_128 = arith.index_cast %parallel_loop3A_127 : i32 to index
      %parallel_loop3A_129 = tpu.vector_load %arg14[%parallel_loop3A_128] {strides = array<i32>} : memref<1024xf32, #tpu.memory_space<vmem>>, vector<16xf32>,
      %parallel_loop3A_130 = arith.index_cast %parallel_loop3A_127 : i32 to index
      %parallel_loop3A_131 = tpu.vector_load %arg16[%parallel_loop3A_130] {strides = array<i32>} : memref<1024xf32, #tpu.memory_space<vmem>>, vector<16xf32>,
      %parallel_loop3A_132 = arith.addf %parallel_loop3A_129, %parallel_loop3A_131 : vector<16xf32>
      %parallel_loop3A_133 = arith.index_cast %parallel_loop3A_127 : i32 to index
      %parallel_loop3A_134 = tpu.vector_load %arg14[%parallel_loop3A_133] {strides = array<i32>} : memref<1024xf32, #tpu.memory_space<vmem>>, vector<16xf32>,
      tpu.vector_store %arg14[%parallel_loop3A_133], %parallel_loop3A_132 {strides = array<i32>} : memref<1024xf32, #tpu.memory_space<vmem>>, vector<16xf32>,
    } {sc.loop_unroll_factor = 8 : i64, sc.parallel_access}
    %dma_wait3A_112 = tpu.memref_slice %arg13[%add3A_88] : memref<212992xf32, #tpu.memory_space<vmem_shared>> -> memref<1024xf32, #tpu.memory_space<vmem_shared>>
    %dma_wait3A_113 = tpu.memref_slice %arg13[%add3A_88] : memref<212992xf32, #tpu.memory_space<vmem_shared>> -> memref<1024xf32, #tpu.memory_space<vmem_shared>>
    tpu.wait_dma2 semaphore(%arg20 : memref<!tpu.dma_semaphore, #tpu.memory_space<semaphore_mem>>) src(%dma_wait3A_113 : memref<1024xf32, #tpu.memory_space<vmem_shared>>) dst(%arg17 : memref<1024xf32, #tpu.memory_space<vmem>>)
    %parallel_loop3A_114 = arith.constant 0 : i32
    %parallel_loop3A_115 = arith.constant 1024 : i32
    %parallel_loop3A_116 = arith.constant 16 : i32
    scf.for %parallel_loop3A_127 = %parallel_loop3A_114 to %parallel_loop3A_115 step %parallel_loop3A_116  : i32 {
      %parallel_loop3A_128 = arith.index_cast %parallel_loop3A_127 : i32 to index
      %parallel_loop3A_129 = tpu.vector_load %arg14[%parallel_loop3A_128] {strides = array<i32>} : memref<1024xf32, #tpu.memory_space<vmem>>, vector<16xf32>,
      %parallel_loop3A_130 = arith.index_cast %parallel_loop3A_127 : i32 to index
      %parallel_loop3A_131 = tpu.vector_load %arg17[%parallel_loop3A_130] {strides = array<i32>} : memref<1024xf32, #tpu.memory_space<vmem>>, vector<16xf32>,
      %parallel_loop3A_132 = arith.addf %parallel_loop3A_129, %parallel_loop3A_131 : vector<16xf32>
      %parallel_loop3A_133 = arith.index_cast %parallel_loop3A_127 : i32 to index
      %parallel_loop3A_134 = tpu.vector_load %arg14[%parallel_loop3A_133] {strides = array<i32>} : memref<1024xf32, #tpu.memory_space<vmem>>, vector<16xf32>,
      tpu.vector_store %arg14[%parallel_loop3A_133], %parallel_loop3A_132 {strides = array<i32>} : memref<1024xf32, #tpu.memory_space<vmem>>, vector<16xf32>,
    } {sc.loop_unroll_factor = 8 : i64, sc.parallel_access}
    %dma_wait3A_117 = tpu.memref_slice %arg13[%add3A_97] : memref<212992xf32, #tpu.memory_space<vmem_shared>> -> memref<1024xf32, #tpu.memory_space<vmem_shared>>
    %dma_wait3A_118 = tpu.memref_slice %arg13[%add3A_97] : memref<212992xf32, #tpu.memory_space<vmem_shared>> -> memref<1024xf32, #tpu.memory_space<vmem_shared>>
    tpu.wait_dma2 semaphore(%arg20 : memref<!tpu.dma_semaphore, #tpu.memory_space<semaphore_mem>>) src(%dma_wait3A_118 : memref<1024xf32, #tpu.memory_space<vmem_shared>>) dst(%arg18 : memref<1024xf32, #tpu.memory_space<vmem>>)
    %parallel_loop3A_119 = arith.constant 0 : i32
    %parallel_loop3A_120 = arith.constant 1024 : i32
    %parallel_loop3A_121 = arith.constant 16 : i32
    scf.for %parallel_loop3A_127 = %parallel_loop3A_119 to %parallel_loop3A_120 step %parallel_loop3A_121  : i32 {
      %parallel_loop3A_128 = arith.index_cast %parallel_loop3A_127 : i32 to index
      %parallel_loop3A_129 = tpu.vector_load %arg14[%parallel_loop3A_128] {strides = array<i32>} : memref<1024xf32, #tpu.memory_space<vmem>>, vector<16xf32>,
      %parallel_loop3A_130 = arith.index_cast %parallel_loop3A_127 : i32 to index
      %parallel_loop3A_131 = tpu.vector_load %arg18[%parallel_loop3A_130] {strides = array<i32>} : memref<1024xf32, #tpu.memory_space<vmem>>, vector<16xf32>,
      %parallel_loop3A_132 = arith.addf %parallel_loop3A_129, %parallel_loop3A_131 : vector<16xf32>
      %parallel_loop3A_133 = arith.index_cast %parallel_loop3A_127 : i32 to index
      %parallel_loop3A_134 = tpu.vector_load %arg14[%parallel_loop3A_133] {strides = array<i32>} : memref<1024xf32, #tpu.memory_space<vmem>>, vector<16xf32>,
      tpu.vector_store %arg14[%parallel_loop3A_133], %parallel_loop3A_132 {strides = array<i32>} : memref<1024xf32, #tpu.memory_space<vmem>>, vector<16xf32>,
    } {sc.loop_unroll_factor = 8 : i64, sc.parallel_access}
    %dma_wait3A_122 = tpu.memref_slice %arg13[%add3A_106] : memref<212992xf32, #tpu.memory_space<vmem_shared>> -> memref<1024xf32, #tpu.memory_space<vmem_shared>>
    %dma_wait3A_123 = tpu.memref_slice %arg13[%add3A_106] : memref<212992xf32, #tpu.memory_space<vmem_shared>> -> memref<1024xf32, #tpu.memory_space<vmem_shared>>
    tpu.wait_dma2 semaphore(%arg20 : memref<!tpu.dma_semaphore, #tpu.memory_space<semaphore_mem>>) src(%dma_wait3A_123 : memref<1024xf32, #tpu.memory_space<vmem_shared>>) dst(%arg15 : memref<1024xf32, #tpu.memory_space<vmem>>)
    %parallel_loop3A_124 = arith.constant 0 : i32
    %parallel_loop3A_125 = arith.constant 1024 : i32
    %parallel_loop3A_126 = arith.constant 16 : i32
    scf.for %parallel_loop3A_127 = %parallel_loop3A_124 to %parallel_loop3A_125 step %parallel_loop3A_126  : i32 {
      %parallel_loop3A_128 = arith.index_cast %parallel_loop3A_127 : i32 to index
      %parallel_loop3A_129 = tpu.vector_load %arg14[%parallel_loop3A_128] {strides = array<i32>} : memref<1024xf32, #tpu.memory_space<vmem>>, vector<16xf32>,
      %parallel_loop3A_130 = arith.index_cast %parallel_loop3A_127 : i32 to index
      %parallel_loop3A_131 = tpu.vector_load %arg15[%parallel_loop3A_130] {strides = array<i32>} : memref<1024xf32, #tpu.memory_space<vmem>>, vector<16xf32>,
      %parallel_loop3A_132 = arith.addf %parallel_loop3A_129, %parallel_loop3A_131 : vector<16xf32>
      %parallel_loop3A_133 = arith.index_cast %parallel_loop3A_127 : i32 to index
      %parallel_loop3A_134 = tpu.vector_load %arg14[%parallel_loop3A_133] {strides = array<i32>} : memref<1024xf32, #tpu.memory_space<vmem>>, vector<16xf32>,
      tpu.vector_store %arg14[%parallel_loop3A_133], %parallel_loop3A_132 {strides = array<i32>} : memref<1024xf32, #tpu.memory_space<vmem>>, vector<16xf32>,
    } {sc.loop_unroll_factor = 8 : i64, sc.parallel_access}
    "tpu.region"() ({
      %run_scoped3A = tpu.sem_alloc : memref<!tpu.dma_semaphore, #tpu.memory_space<semaphore_mem>>
      %dma_start3A_127 = tpu.memref_slice %arg5[%arg0, %mul3A_4] : memref<2x16384xf32, #tpu.memory_space<hbm>> -> memref<1x1024xf32, #tpu.memory_space<hbm>>
      %dma_start3A_128 = tpu.memref_squeeze %dma_start3A_127 : memref<1x1024xf32, #tpu.memory_space<hbm>> -> memref<1024xf32, #tpu.memory_space<hbm>>
      %dma_start3A_129 = tpu.memref_slice %arg5[%arg0, %mul3A_4] : memref<2x16384xf32, #tpu.memory_space<hbm>> -> memref<1x1024xf32, #tpu.memory_space<hbm>>
      %dma_start3A_130 = tpu.memref_squeeze %dma_start3A_129 : memref<1x1024xf32, #tpu.memory_space<hbm>> -> memref<1024xf32, #tpu.memory_space<hbm>>
      tpu.enqueue_dma source(%arg14 : memref<1024xf32, #tpu.memory_space<vmem>>) target(%dma_start3A_130 : memref<1024xf32, #tpu.memory_space<hbm>>) target_semaphore(%run_scoped3A : memref<!tpu.dma_semaphore, #tpu.memory_space<semaphore_mem>>)
      %dma_wait3A_131 = tpu.memref_slice %arg5[%arg0, %mul3A_4] : memref<2x16384xf32, #tpu.memory_space<hbm>> -> memref<1x1024xf32, #tpu.memory_space<hbm>>
      %dma_wait3A_132 = tpu.memref_squeeze %dma_wait3A_131 : memref<1x1024xf32, #tpu.memory_space<hbm>> -> memref<1024xf32, #tpu.memory_space<hbm>>
      %dma_wait3A_133 = tpu.memref_slice %arg5[%arg0, %mul3A_4] : memref<2x16384xf32, #tpu.memory_space<hbm>> -> memref<1x1024xf32, #tpu.memory_space<hbm>>
      %dma_wait3A_134 = tpu.memref_squeeze %dma_wait3A_133 : memref<1x1024xf32, #tpu.memory_space<hbm>> -> memref<1024xf32, #tpu.memory_space<hbm>>
      tpu.wait_dma2 semaphore(%run_scoped3A : memref<!tpu.dma_semaphore, #tpu.memory_space<semaphore_mem>>) src(%arg14 : memref<1024xf32, #tpu.memory_space<vmem>>) dst(%dma_wait3A_134 : memref<1024xf32, #tpu.memory_space<hbm>>)
      tpu.yield
    }) : () -> ()
    return
  }
}

</mosaic_0001>

<sc_bundles>
// kernel: kernel.3.cloned.1.call-start
scs
__scs_entry_jumppad:
0x0: {  	(pc) =	sbr.rel $0x88, $3  }
0x1: {  	(tag) =	ssettag $0x0;
	lr =	simm.s32 $0x1  }
0x2: {  	[smem:$0x3F9E] =	sst lr;
	_ =	strace $0xD0000000  }
0x3: {  	_ = 	snop  }
0x4: {  	_ = 	snop  }
0x5: {  	_ = 	snop  }
0x6: {  	_ = 	snop  }
0x7: {  	_ = 	snop  }
__scs_overlays_trampoline_lowered:
0x8: {  	[smem:$0x3FAD] =	sst s0  }
0x9: {  	[smem:$0x3FAE] =	sst s1  }
0xa: {  	[smem:$0x3FAF] =	sst s2  }
0xb: {  	[smem:$0x3FB0] =	sst s3  }
0xc: {  	[smem:$0x3FB1] =	sst s4  }
0xd: {  	[smem:$0x3FB2] =	sst s5  }
0xe: {  	[smem:$0x3FB3] =	sst s6  }
0xf: {  	[smem:$0x3FB4] =	sst s7  }
0x10: {  	[smem:$0x3FB5] =	sst s8  }
0x11: {  	[smem:$0x3FB6] =	sst s9;
	s0 =	simm.s32 @!p0 $0x0  }
0x12: {  	s1 =	sld [smem:$0x3F9C];
	s0 =	simm.s32 @p0 $0x1  }
0x13: {  	[smem:$0x3FB7] =	sst s0;
	s0 =	simm.s32 @!p1 $0x0  }
0x14: {  	s2 =	sld [smem:$0x3F9B];
	s0 =	simm.s32 @p1 $0x1  }
0x15: {  	[smem:$0x3FB8] =	sst s0;
	s0 =	simm.s32 @!p2 $0x0  }
0x16: {  	s3 =	sld [smem:$0x3FDB];
	s0 =	simm.s32 @p2 $0x1  }
0x17: {  	s4 =	simm.s32 $0x1BF5;
	[smem:$0x3FBA] =	sst s0  }
0x18: {  	s0 =	sld [smem:$0x3F9D];
	_ =	swait.ge [sflag:s4], $0x0  }
0x19: {  	s7 =	sld [smem:$0x3F9E]  }
0x1a: {  	s8 =	sadd.s32 $0xFFFFE003, lr  }
0x1b: {  	s9 =	sadd.s32 $0xFFFFFEF7, lr;
	s5 =	simm.s32 $0xFFFFFFFF;
	p2 =	slt.u32 s8, $0xFFFFF086  }
0x1c: {  	p1 =	slt.u32 s9, $0xF7A;
	s5 =	simm.s32 @!p2 $0x0  }
0x1d: {  	s5 =	simm.s32 @p1 $0x1;
	p0 =	seq.s32 s7, s2  }
0x1e: {  	s7 =	smul.u32 @!p0 $0xF7A, s2;
	p2 =	seq.s32 @!p0 s5, $0x0  }
0x1f: {  	s9 =	smul.u32 $0xF7A, s1;
	s8 =	simm.s32 @!p0 $0x1BF5;
	p2 =	por !p2, p0  }
0x20: {  	[sflag:s8] =	ssyncset.s32 @!p0 $0xFFFFF086;
	s6 =	sadd.s32 @!p0 s3, s7;
	s7 =	simm.s32 @!p0 $0x108  }
0x21: {  	s3 =	sadd.s32 s3, s9;
	s6 =	sadd.s32 @!p0 $0x88, s6;
	s7 =	simm.s32 @p2 $0x1082  }
0x22: {  	[simem:s7], [sflag:s8] =	dma.local @!p0 [hbm:s6], $0xF7A  }
0x23: {  	s9 =	sor.u32 $0xD0000000, s2;
	s6 =	simm.s32 $0x108;
	_ =	swait.ge @!p0 [sflag:s8], $0x0  }
0x24: {  	s3 =	sadd.s32 $0x88, s3;
	s6 =	simm.s32 @!p1 $0x1082;
	[sflag:s4] =	ssyncset.s32 $0xFFFFF086  }
0x25: {  	[simem:s6], [sflag:s4] =	dma.local [hbm:s3], $0xF7A  }
0x26: {  	[smem:$0x3F9E] =	sst s1;
	(tag) =	ssettag s2;
	_ =	strace s9  }
0x27: {  	s1 =	sld [smem:$0x3FAE]  }
0x28: {  	s2 =	sld [smem:$0x3FAF]  }
0x29: {  	s4 =	sld [smem:$0x3FB1]  }
0x2a: {  	p0 =	seq.s32 s5, $0x0;
	s5 =	sld [smem:$0x3FB2]  }
0x2b: {  	s6 =	sld [smem:$0x3FB3]  }
0x2c: {  	s7 =	sld [smem:$0x3FB4]  }
0x2d: {  	s3 =	simm.s32 $0x108;
	s8 =	sld [smem:$0x3FB5]  }
0x2e: {  	s3 =	simm.s32 @!p0 $0x1082;
	s9 =	sld [smem:$0x3FB6]  }
0x2f: {  	lr =	sadd.s32 s0, s3;
	s0 =	sld [smem:$0x3FAD]  }
0x30: {  	s3 =	sld [smem:$0x3FB0]  }
0x31: {  	[smem:$0x3FB9] =	sst s10  }
0x32: {  	s10 =	sld [smem:$0x3FB7];
	_ =	sdelay $0x3  }
0x33: {  	p0 =	seq.s32 s10, $0x1;
	s10 =	sld [smem:$0x3FB9];
	_ =	sdelay $0x3  }
0x34: {  	[smem:$0x3FB9] =	sst s10  }
0x35: {  	s10 =	sld [smem:$0x3FB8];
	_ =	sdelay $0x3  }
0x36: {  	p1 =	seq.s32 s10, $0x1;
	s10 =	sld [smem:$0x3FB9];
	_ =	sdelay $0x3  }
0x37: {  	[smem:$0x3FB9] =	sst s10  }
0x38: {  	s10 =	sld [smem:$0x3FBA]  }
0x39: {  	_ = 	snop;
	(pc) =	sbr.ind lr, $3  }
0x3a: {  	_ = 	snop  }
0x3b: {  	_ = 	snop  }
0x3c: {  	p2 =	seq.s32 s10, $0x1;
	s10 =	sld [smem:$0x3FB9]  }
0x3d: {  	_ =	shalt  }
0x3e: {  	_ =	shalt  }
0x3f: {  	_ =	shalt  }
0x40: {  	_ =	shalt  }
0x41: {  	_ =	shalt  }
0x42: {  	_ =	shalt  }
0x43: {  	_ =	shalt  }
0x44: {  	_ =	shalt  }
0x45: {  	_ =	shalt  }
0x46: {  	_ =	shalt  }
0x47: {  	_ =	shalt  }
0x48: {  	_ =	shalt  }
0x49: {  	_ =	shalt  }
0x4a: {  	_ =	shalt  }
0x4b: {  	_ =	shalt  }
0x4c: {  	_ =	shalt  }
0x4d: {  	_ =	shalt  }
0x4e: {  	_ =	shalt  }
0x4f: {  	_ =	shalt  }
0x50: {  	_ =	shalt  }
0x51: {  	_ =	shalt  }
0x52: {  	_ =	shalt  }
0x53: {  	_ =	shalt  }
0x54: {  	_ =	shalt  }
0x55: {  	_ =	shalt  }
0x56: {  	_ =	shalt  }
0x57: {  	_ =	shalt  }
0x58: {  	_ =	shalt  }
0x59: {  	_ =	shalt  }
0x5a: {  	_ =	shalt  }
0x5b: {  	_ =	shalt  }
0x5c: {  	_ =	shalt  }
0x5d: {  	_ =	shalt  }
0x5e: {  	_ =	shalt  }
0x5f: {  	_ =	shalt  }
0x60: {  	_ =	shalt  }
0x61: {  	_ =	shalt  }
0x62: {  	_ =	shalt  }
0x63: {  	_ =	shalt  }
0x64: {  	_ =	shalt  }
0x65: {  	_ =	shalt  }
0x66: {  	_ =	shalt  }
0x67: {  	_ =	shalt  }
0x68: {  	_ =	shalt  }
0x69: {  	_ =	shalt  }
0x6a: {  	_ =	shalt  }
0x6b: {  	_ =	shalt  }
0x6c: {  	_ =	shalt  }
0x6d: {  	_ =	shalt  }
0x6e: {  	_ =	shalt  }
0x6f: {  	_ =	shalt  }
0x70: {  	_ =	shalt  }
0x71: {  	_ =	shalt  }
0x72: {  	_ =	shalt  }
0x73: {  	_ =	shalt  }
0x74: {  	_ =	shalt  }
0x75: {  	_ =	shalt  }
0x76: {  	_ =	shalt  }
0x77: {  	_ =	shalt  }
0x78: {  	_ =	shalt  }
0x79: {  	_ =	shalt  }
0x7a: {  	_ =	shalt  }
0x7b: {  	_ =	shalt  }
0x7c: {  	_ =	shalt  }
0x7d: {  	_ =	shalt  }
0x7e: {  	_ =	shalt  }
0x7f: {  	_ =	shalt  }
0x80: {  	_ =	shalt  }
0x81: {  	_ =	shalt  }
0x82: {  	_ =	shalt  }
0x83: {  	_ =	shalt  }
0x84: {  	_ =	shalt  }
0x85: {  	_ =	shalt  }
0x86: {  	_ =	shalt  }
0x87: {  	_ =	shalt  }
.Lfunc_end0:
.L_simem_size_0:
called_computation_lowered:
.L_overlay_start_0:
0x88: {  	s2 =	sld [smem:$0x3FD9]  }
0x89: {  	s3 =	sld [smem:$0x3FFE];
	_ =	sdelay $0x1  }
0x8a: {  	s1 =	srdreg.scid  }
0x8b: {  	s0 =	sand.u32 $0x1, s1  }
0x8c: {  	s17 =	sshll.u32 s0, $0xA;
	s2 =	sadd.s32 s3, s2  }
0x8d: {  	s2 =	sadd.s32 s2, s17  }
0x8e: {  	[smem:$0x3FC5] =	sst s2  }
0x8f: {  	_ = 	snop  }
0x90: {  	s2 =	sld [smem:$0x3FC9];
	(tm) =	ssettm $0x1  }
0x91: {  	s18 =	sld [smem:$0x3FFB];
	_ =	sdelay $0x3  }
0x92: {  	_ =	strace s18  }
0x93: {  	s3 =	sld [smem:$0x3FFC];
	_ =	sdelay $0x3  }
0x94: {  	_ =	strace s3  }
0x95: {  	s3 =	sld [smem:$0x3FFD];
	_ =	sdelay $0x3  }
0x96: {  	_ =	strace s3  }
0x97: {  	_ =	strace $0x8FFFFFFF  }
0x98: {  	s19 =	sld [smem:$0x3FDB];
	_ =	sdelay $0x1  }
0x99: {  	s4 =	simm.s32 $_scs_section_size  }
0x9a: {  	s5 =	simm.s32 $_size__tile_overlayer_lowered;
	s6 =	simm.s32 $_tile_overlayer_lowered  }
0x9b: {  	s22 =	simm.s32 $0x1BFF;
	s21 =	sshll.u32 s6, $0x1;
	s3 =	sadd.s32 s4, s19  }
0x9c: {  	s7 =	simm.s32 $0x0;
	s20 =	sshll.u32 s5, $0x1;
	s5 =	sadd.s32 s21, s3  }
0x9d: {  	[timem:s7], [sflag:s22] =	dma.local [hbm:s5], s20  }
0x9e: {  	_ =	swait.ge [sflag:s22], s20  }
0x9f: {  	s4 =	ssub.s32 $0x0, s20;
	[sflag:s22] =	ssyncset.done $0x0  }
0xa0: {  	[sflag:s22] =	ssyncadd.s32 s4;
	_ =	sdelay $0x1  }
0xa1: {  	s23 =	simm.s32 $0x1B8B  }
0xa2: {  	_ =	swait.ge [sflag:s23], $0x1  }
0xa3: {  	[sflag:s23] =	ssyncset.done $0x0  }
0xa4: {  	s25 =	simm.s32 $0x1B8E;
	s24 =	sld [smem:$0x3FFE];
	[sflag:s23] =	ssyncadd.s32 $0xFFFFFFFF  }
0xa5: {  	s26 =	simm.s32 $execute0_lowered;
	[smem:$0x3FD2] =	sst s25  }
0xa6: {  	s5 =	sshll.u32 s26, $0x1;
	_ =	strace $0x80000046;
	[dreg:$0x1] =	wrdreg $0xFFFFFFFF  }
0xa7: {  	s28 =	simm.s32 $_size_execute0_lowered;
	s3 =	sadd.s32 s3, s5;
	[dreg:$0x0] =	wrdreg $0x0  }
0xa8: {  	s5 =	sshll.u32 s28, $0x1;
	[dreg:$0x2] =	wrdreg s3  }
0xa9: {  	[dreg:$0x3] =	wrdreg s5  }
0xaa: {  	[dreg:$0x4] =	wrdreg $0xC0  }
0xab: {  	_ =	task [dreg:s7], $0x5FFFF  }
0xac: {  	[dreg:$0x1] =	wrdreg $0xFFFFFFFF  }
0xad: {  	[dreg:$0x0] =	wrdreg $0x60  }
0xae: {  	[dreg:$0x2] =	wrdreg s2  }
0xaf: {  	[dreg:$0x3] =	wrdreg s24  }
0xb0: {  	[dreg:$0x4] =	wrdreg $0x1B7000  }
0xb1: {  	[dreg:$0x5] =	wrdreg $0x9  }
0xb2: {  	_ =	task.clear_ibuf [dreg:s7], $0x6FFFF;
	_ =	strace $0x90000046  }
0xb3: {  	s29 =	simm.s32 $0x9;
	_ =	strace $0x80000048  }
0xb4: {  	_ =	swait.ge [sflag:s29], $0x1  }
0xb5: {  	[sflag:s29] =	ssyncadd.s32 $0xFFFFFFFF  }
0xb6: {  	_ =	strace $0x90000048  }
0xb7: {  	_ =	sfence  }
0xb8: {  	s30 =	sld [smem:$0x0];
	_ =	sdelay $0x2  }
0xb9: {  	s31 =	sshll.u32 s1, $0xD;
	s1 =	sshrl.u32 s1, $0x2  }
0xba: {  	s3 =	sand.u32 $0x4000, s31;
	s1 =	sadd.s32 s1, s30  }
0xbb: {  	s0 =	sor.u32 s3, s0;
	s1 =	sshll.u32 s1, $0x11  }
0xbc: {  	s0 =	sor.u32 s1, s0  }
0xbd: {  	s0 =	sadd.s32 $0x8F2B, s0  }
0xbe: {  	[sflag:s0] =	ssyncadd.remote.s32 $0x1  }
0xbf: {  	_ =	sfence.sel $0xFFFF  }
0xc0: {  	[dreg:$0x0] =	wrdreg $0xFFFFFFFF;
	(pc) =	sbr.abs _section_cstart, $3  }
0xc1: {  	[dreg:$0x1] =	wrdreg $0xFFFFFFFF  }
0xc2: {  	_ =	task.clear_ibuf [dreg:s7], $0x2FFFF;
	_ =	strace $0x9FFFFFFF  }
0xc3: {  	(tm) =	ssettm $0x7FFFFFFF  }
tec
execute0_lowered:
.L_overlay_start_1:
0x0: {  	(tag) =	ssettag $0x1  }
0x1: {  	s0 =	rddreg [dreg:$0x0]  }
0x2: {  	s2 =	rddreg [dreg:$0x1]  }
0x3: {  	s3 =	rddreg [dreg:$0x2];
	s1 =	simm.s32 $0x0;
	s4 =	srdreg.scid  }
0x4: {  	s12 =	stileid.u32;
	[smem:$0x7FF] =	sst s1;
	s5 =	sadd.s32 $0x61C00, s2  }
0x5: {  	s4 =	sand.u32 $0x1, s4;
	s7 =	sshll.u32 s12, $0x8;
	s10 =	sshrl.u32 s12, $0x2  }
0x6: {  	s20 =	sshll.u32 s12, $0xE;
	p0 =	sgt.u32 s12, $0xC;
	_ =	strace $0x80000047  }
0x7: {  	[dreg:$0x4] =	wrdreg s5;
	s17 =	sshll.u32 s4, $0x4;
	s6 =	ssub.s32 $0x2, s4  }
0x8: {  	s8 =	sshll.u32 s4, $0x7;
	s9 =	sand.u32 $0x300, s7;
	s18 =	smul.u32 $0xC3800, s10  }
0x9: {  	s10 =	sshll.u32 s10, $0x11;
	s22 =	sadd.s32 s20, s3;
	s8 =	sor.u32 s8, s9  }
0xa: {  	s5 =	sadd.s32 s17, s2;
	s11 =	sshrl.u32 s6, $0x1;
	s25 =	sadd.s32 $0x800, s22  }
0xb: {  	s14 =	sadd.s32 $0x2000, s22;
	s16 =	sadd.s32 $0x2800, s22;
	[dreg:$0x8] =	wrdreg s22  }
0xc: {  	s17 =	sshll.u32 s12, $0xA;
	s12 =	simm.s32 $0x0;
	[dreg:$0xb] =	wrdreg s25  }
0xd: {  	s10 =	sor.u32 s10, s8;
	s6 =	ssub.s32 s6, s11;
	[dreg:$0x11] =	wrdreg s14  }
0xe: {  	s8 =	sor.u32 s18, s8;
	s11 =	sadd.s32 $0x1800, s22;
	[dreg:$0x13] =	wrdreg s16  }
0xf: {  	s18 =	sadd.s32 $0x3000, s22;
	s20 =	sadd.s32 s17, s3;
	s25 =	sadd.s32 s7, s5  }
0x10: {  	s14 =	simm.s32 $0x2;
	s17 =	simm.s32 $0x3;
	s7 =	simm.s32 $0x1FB00  }
0x11: {  	s19 =	sshrl.u32 s10, $0x3;
	s8 =	sshrl.u32 s8, $0x3;
	[dreg:$0xf] =	wrdreg s11  }
0x12: {  	[dreg:$0x14] =	wrdreg s18;
	s28 =	sadd.s32 $0x10000, s20;
	s2 =	sadd.s32 s2, s8  }
0x13: {  	s29 =	sadd.s32 $0x14000, s20;
	s9 =	sadd.s32 s0, s19;
	[dreg:$0x6] =	wrdreg s2  }
0x14: {  	s30 =	sadd.s32 $0x18000, s20;
	s21 =	sadd.s32 $0x800, s9;
	[dreg:$0x5] =	wrdreg s9  }
0x15: {  	s31 =	sadd.s32 $0x1C000, s20;
	s23 =	sadd.s32 $0x1000, s9;
	[dreg:$0x7] =	wrdreg s21  }
0x16: {  	s5 =	sadd.s32 $0x28000, s20;
	s24 =	sadd.s32 $0x1800, s9;
	[dreg:$0x9] =	wrdreg s23  }
0x17: {  	s18 =	simm.s32 $0x4;
	s26 =	sadd.s32 $0x2000, s9;
	[dreg:$0xa] =	wrdreg s24  }
0x18: {  	s11 =	simm.s32 $0x5;
	s2 =	sadd.s32 $0x1000, s22;
	[dreg:$0xc] =	wrdreg s26  }
0x19: {  	s19 =	sxor.u32 $0x1, s4;
	s10 =	sadd.s32 $0x2800, s9;
	[dreg:$0xd] =	wrdreg s2  }
0x1a: {  	s0 =	sadd.s32 $0x20000, s20;
	s13 =	sadd.s32 $0x3000, s9;
	[dreg:$0xe] =	wrdreg s10  }
0x1b: {  	s8 =	sadd.s32 $0x30000, s20;
	s15 =	sadd.s32 $0x3800, s9;
	[dreg:$0x10] =	wrdreg s13  }
0x1c: {  	s4 =	simm.s32 $0x1F700;
	s9 =	simm.s32 $0x80;
	[dreg:$0x12] =	wrdreg s15  }
0x1d: {  	s21 =	sadd.s32 $0x3800, s22;
	s22 =	scvt.s32.f32 s19;
	s26 =	sadd.s32 $0x4000, s20  }
0x1e: {  	s23 =	sadd.s32 $0x61E00, s25;
	s24 =	smax.u32 s6, $0x1;
	s25 =	sadd.s32 $0x8000, s20  }
0x1f: {  	s2 =	sadd.s32 $0x24000, s20;
	s6 =	sadd.s32 $0x2C000, s20;
	s10 =	simm.s32 $0x400  }
0x20: {  	s13 =	simm.s32 $0x1;
	s19 =	simm.s32 $0x1EF00;
	[dreg:$0x15] =	wrdreg s21  }
0x21: {  	[dreg:$0x16] =	wrdreg s26;
	s26 =	sadd.s32 $0xC000, s20;
	s21 =	simm.s32 $0x1F300;
	v0 =	vmov s22  }
.LBB2_1:
.Ltmp0:
0x22: {  	(pc) =	sbr.rel @p0 .LBB2_19-.Ltmp0, $3  }
0x23: {  	_ =	sdelay $0x1  }
0x24: {  	s3 =	rddreg [dreg:$0x4];
	s15 =	simm.s32 $0x1FF00  }
0x25: {  	[tilespmem:s15], [sflag:$0x4] =	stream.linear.gather [hbm4b:s3+s1], $0x80, $0x38;
	[tilespmem:$0x1FF80] =	vst v63  }
0x26: {  	s3 =	rddreg [dreg:$0x6]  }
0x27: {  	[tilespmem:s1], [sflag:$0x1] =	stream.strided.gather [hbm4b:s3+s9], $0x18700, s10, s9, $0x38;
	[tilespmem:$0x1FF80] =	vst v63  }
0x28: {  	s22 =	rddreg [dreg:$0x5];
	s15 =	simm.s32 $0x18700  }
0x29: {  	[tilespmem:s15], [sflag:$0x2] =	stream.strided.gather [hbm4b:s22+s9], $0x800, s10, s9, $0x38;
	[tilespmem:$0x1FF80] =	vst v63  }
0x2a: {  	s16 =	rddreg [dreg:$0x7];
	s22 =	simm.s32 $0x18F00  }
0x2b: {  	[tilespmem:s22], [sflag:$0x2] =	stream.strided.gather [hbm4b:s16+s9], $0x800, s10, s9, $0x38;
	[tilespmem:$0x1FF80] =	vst v63  }
0x2c: {  	_ =	swait.ge [sflag:s13], $0x18700  }
0x2d: {  	[sflag:s13] =	ssyncset.done $0x0  }
0x2e: {  	[sflag:s13] =	ssyncadd.s32 $0xFFFE7900  }
0x2f: {  	_ =	swait.ge [sflag:s14], $0x800  }
0x30: {  	s16 =	simm.s32 $0x19700;
	[sflag:s14] =	ssyncset.done $0x0  }
0x31: {  	s22 =	simm.s32 $0x18780;
	s15 =	rddreg [dreg:$0x9];
	[sflag:s14] =	ssyncadd.s32 $0xFFFFF800  }
0x32: {  	[tilespmem:s16], [sflag:$0x2] =	stream.strided.gather [hbm4b:s15+s9], $0x800, s10, s9, $0x38;
	[tilespmem:$0x1FF80] =	vst v63  }
0x33: {  	v1 =	vld [tilespmem:s22+$0x70]  }
0x34: {  	v2 =	vld [tilespmem:s22+$0xFFFFFF90]  }
0x35: {  	v3 =	vld [tilespmem:s22+$0xFFFFFFA0]  }
0x36: {  	v4 =	vld [tilespmem:s22+$0xFFFFFFB0]  }
0x37: {  	v5 =	vld [tilespmem:s22+$0xFFFFFFC0]  }
0x38: {  	v6 =	vld [tilespmem:s22+$0xFFFFFFD0]  }
0x39: {  	v7 =	vld [tilespmem:s22+$0xFFFFFFE0]  }
0x3a: {  	v8 =	vld [tilespmem:s22+$0xFFFFFFF0]  }
0x3b: {  	v9 =	vld [tilespmem:s22+$0x0]  }
0x3c: {  	v10 =	vld [tilespmem:s22+$0x10]  }
0x3d: {  	v11 =	vld [tilespmem:s22+$0x20]  }
0x3e: {  	v12 =	vld [tilespmem:s22+$0x30]  }
0x3f: {  	v13 =	vld [tilespmem:s22+$0x40]  }
0x40: {  	v14 =	vld [tilespmem:s22+$0x50]  }
0x41: {  	v15 =	vld [tilespmem:s22+$0x60]  }
0x42: {  	v16 =	vld [tilespmem:s22+$0xFFFFFF80]  }
0x43: {  	v1 =	vld.idx.msk [tilespmem:v1+s1+$0x0], $0xffff  }
0x44: {  	v2 =	vld.idx.msk [tilespmem:v2+s1+$0x0], $0xffff  }
0x45: {  	v3 =	vld.idx.msk [tilespmem:v3+s1+$0x0], $0xffff  }
0x46: {  	v4 =	vld.idx.msk [tilespmem:v4+s1+$0x0], $0xffff  }
0x47: {  	v5 =	vld.idx.msk [tilespmem:v5+s1+$0x0], $0xffff  }
0x48: {  	s15 =	simm.s32 $0x19F80;
	v6 =	vld.idx.msk [tilespmem:v6+s1+$0x0], $0xffff  }
0x49: {  	v7 =	vld.idx.msk [tilespmem:v7+s1+$0x0], $0xffff;
	[tilespmem:s15+$0x70] =	vst v1  }
0x4a: {  	v8 =	vld.idx.msk [tilespmem:v8+s1+$0x0], $0xffff;
	[tilespmem:s15+$0xFFFFFF90] =	vst v2  }
0x4b: {  	v16 =	vld.idx.msk [tilespmem:v16+s1+$0x0], $0xffff;
	[tilespmem:s15+$0xFFFFFFA0] =	vst v3  }
0x4c: {  	v9 =	vld.idx.msk [tilespmem:v9+s1+$0x0], $0xffff;
	[tilespmem:s15+$0xFFFFFFB0] =	vst v4  }
0x4d: {  	[tilespmem:s15+$0xFFFFFFC0] =	vst v5;
	v1 =	vld.idx.msk [tilespmem:v10+s1+$0x0], $0xffff  }
0x4e: {  	[tilespmem:s15+$0xFFFFFFD0] =	vst v6;
	v2 =	vld.idx.msk [tilespmem:v11+s1+$0x0], $0xffff  }
0x4f: {  	[tilespmem:s15+$0xFFFFFFE0] =	vst v7;
	v3 =	vld.idx.msk [tilespmem:v12+s1+$0x0], $0xffff  }
0x50: {  	[tilespmem:s15+$0xFFFFFFF0] =	vst v8;
	v4 =	vld.idx.msk [tilespmem:v13+s1+$0x0], $0xffff  }
0x51: {  	[tilespmem:s15+$0xFFFFFF80] =	vst v16;
	v5 =	vld.idx.msk [tilespmem:v14+s1+$0x0], $0xffff  }
0x52: {  	s3 =	simm.s32 $0x18880;
	s16 =	simm.s32 $0x0;
	[tilespmem:s15+$0x0] =	vst v9;
	v6 =	vld.idx.msk [tilespmem:v15+s1+$0x0], $0xffff  }
.LBB2_3:
0x53: {  	v7 =	vld [tilespmem:s3+$0x70];
	s16 =	sadd.s32 $0x100, s16;
	[tilespmem:s15+$0x10] =	vst v1  }
0x54: {  	v1 =	vld [tilespmem:s3+$0xFFFFFF90];
	p1 =	slt.u32 s16, $0x700;
	[tilespmem:s15+$0x20] =	vst v2  }
0x55: {  	v2 =	vld [tilespmem:s3+$0xFFFFFFA0];
	[tilespmem:s15+$0x30] =	vst v3  }
0x56: {  	v3 =	vld [tilespmem:s3+$0xFFFFFFB0];
	[tilespmem:s15+$0x40] =	vst v4  }
0x57: {  	v4 =	vld [tilespmem:s3+$0xFFFFFFC0];
	[tilespmem:s15+$0x50] =	vst v5  }
0x58: {  	v5 =	vld [tilespmem:s3+$0xFFFFFFD0];
	[tilespmem:s15+$0x60] =	vst v6  }
0x59: {  	v6 =	vld [tilespmem:s3+$0xFFFFFFE0]  }
0x5a: {  	v8 =	vld [tilespmem:s3+$0xFFFFFFF0]  }
0x5b: {  	v7 =	vld.idx.msk [tilespmem:v7+s1+$0x0], $0xffff  }
0x5c: {  	v9 =	vld [tilespmem:s3+$0x0]  }
0x5d: {  	v10 =	vld [tilespmem:s3+$0x10]  }
0x5e: {  	v11 =	vld [tilespmem:s3+$0x20]  }
0x5f: {  	v12 =	vld [tilespmem:s3+$0x30]  }
0x60: {  	s15 =	sadd.s32 $0x100, s15;
	v13 =	vld [tilespmem:s3+$0x40]  }
0x61: {  	v14 =	vld [tilespmem:s3+$0x50];
	[tilespmem:s15+$0x70] =	vst v7  }
0x62: {  	v7 =	vld [tilespmem:s3+$0x60]  }
0x63: {  	v15 =	vld [tilespmem:s3+$0xFFFFFF80]  }
0x64: {  	v1 =	vld.idx.msk [tilespmem:v1+s1+$0x0], $0xffff  }
0x65: {  	v2 =	vld.idx.msk [tilespmem:v2+s1+$0x0], $0xffff  }
0x66: {  	v3 =	vld.idx.msk [tilespmem:v3+s1+$0x0], $0xffff  }
0x67: {  	v4 =	vld.idx.msk [tilespmem:v4+s1+$0x0], $0xffff  }
0x68: {  	v5 =	vld.idx.msk [tilespmem:v5+s1+$0x0], $0xffff  }
0x69: {  	v6 =	vld.idx.msk [tilespmem:v6+s1+$0x0], $0xffff  }
0x6a: {  	[tilespmem:s15+$0xFFFFFF90] =	vst v1;
	v8 =	vld.idx.msk [tilespmem:v8+s1+$0x0], $0xffff  }
0x6b: {  	v15 =	vld.idx.msk [tilespmem:v15+s1+$0x0], $0xffff;
	[tilespmem:s15+$0xFFFFFFA0] =	vst v2  }
0x6c: {  	[tilespmem:s15+$0xFFFFFFB0] =	vst v3;
	v9 =	vld.idx.msk [tilespmem:v9+s1+$0x0], $0xffff  }
0x6d: {  	[tilespmem:s15+$0xFFFFFFC0] =	vst v4;
	v1 =	vld.idx.msk [tilespmem:v10+s1+$0x0], $0xffff  }
.Ltmp1:
0x6e: {  	[tilespmem:s15+$0xFFFFFFD0] =	vst v5;
	v2 =	vld.idx.msk [tilespmem:v11+s1+$0x0], $0xffff;
	(pc) =	sbr.rel @p1 .LBB2_3-.Ltmp1, $4  }
0x6f: {  	[tilespmem:s15+$0xFFFFFFE0] =	vst v6;
	v3 =	vld.idx.msk [tilespmem:v12+s1+$0x0], $0xffff  }
0x70: {  	[tilespmem:s15+$0xFFFFFFF0] =	vst v8;
	v4 =	vld.idx.msk [tilespmem:v13+s1+$0x0], $0xffff  }
0x71: {  	[tilespmem:s15+$0xFFFFFF80] =	vst v15;
	v5 =	vld.idx.msk [tilespmem:v14+s1+$0x0], $0xffff  }
0x72: {  	s3 =	sadd.s32 $0x100, s3;
	[tilespmem:s15+$0x0] =	vst v9;
	v6 =	vld.idx.msk [tilespmem:v7+s1+$0x0], $0xffff  }
0x73: {  	[tilespmem:s15+$0x10] =	vst v1  }
0x74: {  	[tilespmem:s15+$0x20] =	vst v2  }
0x75: {  	[tilespmem:s15+$0x30] =	vst v3  }
0x76: {  	[tilespmem:s15+$0x40] =	vst v4  }
0x77: {  	[tilespmem:s15+$0x50] =	vst v5  }
0x78: {  	[tilespmem:s15+$0x60] =	vst v6  }
0x79: {  	s22 =	simm.s32 $0x19F00;
	s3 =	rddreg [dreg:$0x8]  }
0x7a: {  	[spmem:s3] =	stream.linear.scatter [tilespmem:s22], [sflag:$0x3], $0x800, $0x38;
	[tilespmem:$0x1FF80] =	vst v63  }
0x7b: {  	_ =	swait.ge [sflag:s14], $0x800  }
0x7c: {  	s16 =	simm.s32 $0x18700;
	[sflag:s14] =	ssyncset.done $0x0  }
0x7d: {  	s22 =	simm.s32 $0x18F80;
	s15 =	rddreg [dreg:$0xa];
	[sflag:s14] =	ssyncadd.s32 $0xFFFFF800  }
0x7e: {  	[tilespmem:s16], [sflag:$0x2] =	stream.strided.gather [hbm4b:s15+s9], $0x800, s10, s9, $0x38;
	[tilespmem:$0x1FF80] =	vst v63  }
0x7f: {  	v1 =	vld [tilespmem:s22+$0x70]  }
0x80: {  	v2 =	vld [tilespmem:s22+$0xFFFFFF90]  }
0x81: {  	v3 =	vld [tilespmem:s22+$0xFFFFFFA0]  }
0x82: {  	v4 =	vld [tilespmem:s22+$0xFFFFFFB0]  }
0x83: {  	v5 =	vld [tilespmem:s22+$0xFFFFFFC0]  }
0x84: {  	v6 =	vld [tilespmem:s22+$0xFFFFFFD0]  }
0x85: {  	v7 =	vld [tilespmem:s22+$0xFFFFFFE0]  }
0x86: {  	v8 =	vld [tilespmem:s22+$0xFFFFFFF0]  }
0x87: {  	v9 =	vld [tilespmem:s22+$0x0]  }
0x88: {  	v10 =	vld [tilespmem:s22+$0x10]  }
0x89: {  	v11 =	vld [tilespmem:s22+$0x20]  }
0x8a: {  	v12 =	vld [tilespmem:s22+$0x30]  }
0x8b: {  	v13 =	vld [tilespmem:s22+$0x40]  }
0x8c: {  	v14 =	vld [tilespmem:s22+$0x50]  }
0x8d: {  	v15 =	vld [tilespmem:s22+$0x60]  }
0x8e: {  	v16 =	vld [tilespmem:s22+$0xFFFFFF80]  }
0x8f: {  	v1 =	vld.idx.msk [tilespmem:v1+s1+$0x0], $0xffff  }
0x90: {  	v2 =	vld.idx.msk [tilespmem:v2+s1+$0x0], $0xffff  }
0x91: {  	v3 =	vld.idx.msk [tilespmem:v3+s1+$0x0], $0xffff  }
0x92: {  	v4 =	vld.idx.msk [tilespmem:v4+s1+$0x0], $0xffff  }
0x93: {  	v5 =	vld.idx.msk [tilespmem:v5+s1+$0x0], $0xffff  }
0x94: {  	s15 =	simm.s32 $0x1A780;
	v6 =	vld.idx.msk [tilespmem:v6+s1+$0x0], $0xffff  }
0x95: {  	v7 =	vld.idx.msk [tilespmem:v7+s1+$0x0], $0xffff;
	[tilespmem:s15+$0x70] =	vst v1  }
0x96: {  	v8 =	vld.idx.msk [tilespmem:v8+s1+$0x0], $0xffff;
	[tilespmem:s15+$0xFFFFFF90] =	vst v2  }
0x97: {  	v16 =	vld.idx.msk [tilespmem:v16+s1+$0x0], $0xffff;
	[tilespmem:s15+$0xFFFFFFA0] =	vst v3  }
0x98: {  	v9 =	vld.idx.msk [tilespmem:v9+s1+$0x0], $0xffff;
	[tilespmem:s15+$0xFFFFFFB0] =	vst v4  }
0x99: {  	[tilespmem:s15+$0xFFFFFFC0] =	vst v5;
	v1 =	vld.idx.msk [tilespmem:v10+s1+$0x0], $0xffff  }
0x9a: {  	[tilespmem:s15+$0xFFFFFFD0] =	vst v6;
	v2 =	vld.idx.msk [tilespmem:v11+s1+$0x0], $0xffff  }
0x9b: {  	[tilespmem:s15+$0xFFFFFFE0] =	vst v7;
	v3 =	vld.idx.msk [tilespmem:v12+s1+$0x0], $0xffff  }
0x9c: {  	[tilespmem:s15+$0xFFFFFFF0] =	vst v8;
	v4 =	vld.idx.msk [tilespmem:v13+s1+$0x0], $0xffff  }
0x9d: {  	[tilespmem:s15+$0xFFFFFF80] =	vst v16;
	v5 =	vld.idx.msk [tilespmem:v14+s1+$0x0], $0xffff  }
0x9e: {  	s3 =	simm.s32 $0x19080;
	s16 =	simm.s32 $0x0;
	[tilespmem:s15+$0x0] =	vst v9;
	v6 =	vld.idx.msk [tilespmem:v15+s1+$0x0], $0xffff  }
.LBB2_5:
0x9f: {  	v7 =	vld [tilespmem:s3+$0x70];
	s16 =	sadd.s32 $0x100, s16;
	[tilespmem:s15+$0x10] =	vst v1  }
0xa0: {  	v1 =	vld [tilespmem:s3+$0xFFFFFF90];
	p1 =	slt.u32 s16, $0x700;
	[tilespmem:s15+$0x20] =	vst v2  }
0xa1: {  	v2 =	vld [tilespmem:s3+$0xFFFFFFA0];
	[tilespmem:s15+$0x30] =	vst v3  }
0xa2: {  	v3 =	vld [tilespmem:s3+$0xFFFFFFB0];
	[tilespmem:s15+$0x40] =	vst v4  }
0xa3: {  	v4 =	vld [tilespmem:s3+$0xFFFFFFC0];
	[tilespmem:s15+$0x50] =	vst v5  }
0xa4: {  	v5 =	vld [tilespmem:s3+$0xFFFFFFD0];
	[tilespmem:s15+$0x60] =	vst v6  }
0xa5: {  	v6 =	vld [tilespmem:s3+$0xFFFFFFE0]  }
0xa6: {  	v8 =	vld [tilespmem:s3+$0xFFFFFFF0]  }
0xa7: {  	v7 =	vld.idx.msk [tilespmem:v7+s1+$0x0], $0xffff  }
0xa8: {  	v9 =	vld [tilespmem:s3+$0x0]  }
0xa9: {  	v10 =	vld [tilespmem:s3+$0x10]  }
0xaa: {  	v11 =	vld [tilespmem:s3+$0x20]  }
0xab: {  	v12 =	vld [tilespmem:s3+$0x30]  }
0xac: {  	s15 =	sadd.s32 $0x100, s15;
	v13 =	vld [tilespmem:s3+$0x40]  }
0xad: {  	v14 =	vld [tilespmem:s3+$0x50];
	[tilespmem:s15+$0x70] =	vst v7  }
0xae: {  	v7 =	vld [tilespmem:s3+$0x60]  }
0xaf: {  	v15 =	vld [tilespmem:s3+$0xFFFFFF80]  }
0xb0: {  	v1 =	vld.idx.msk [tilespmem:v1+s1+$0x0], $0xffff  }
0xb1: {  	v2 =	vld.idx.msk [tilespmem:v2+s1+$0x0], $0xffff  }
0xb2: {  	v3 =	vld.idx.msk [tilespmem:v3+s1+$0x0], $0xffff  }
0xb3: {  	v4 =	vld.idx.msk [tilespmem:v4+s1+$0x0], $0xffff  }
0xb4: {  	v5 =	vld.idx.msk [tilespmem:v5+s1+$0x0], $0xffff  }
0xb5: {  	v6 =	vld.idx.msk [tilespmem:v6+s1+$0x0], $0xffff  }
0xb6: {  	[tilespmem:s15+$0xFFFFFF90] =	vst v1;
	v8 =	vld.idx.msk [tilespmem:v8+s1+$0x0], $0xffff  }
0xb7: {  	v15 =	vld.idx.msk [tilespmem:v15+s1+$0x0], $0xffff;
	[tilespmem:s15+$0xFFFFFFA0] =	vst v2  }
0xb8: {  	[tilespmem:s15+$0xFFFFFFB0] =	vst v3;
	v9 =	vld.idx.msk [tilespmem:v9+s1+$0x0], $0xffff  }
0xb9: {  	[tilespmem:s15+$0xFFFFFFC0] =	vst v4;
	v1 =	vld.idx.msk [tilespmem:v10+s1+$0x0], $0xffff  }
.Ltmp2:
0xba: {  	[tilespmem:s15+$0xFFFFFFD0] =	vst v5;
	v2 =	vld.idx.msk [tilespmem:v11+s1+$0x0], $0xffff;
	(pc) =	sbr.rel @p1 .LBB2_5-.Ltmp2, $4  }
0xbb: {  	[tilespmem:s15+$0xFFFFFFE0] =	vst v6;
	v3 =	vld.idx.msk [tilespmem:v12+s1+$0x0], $0xffff  }
0xbc: {  	[tilespmem:s15+$0xFFFFFFF0] =	vst v8;
	v4 =	vld.idx.msk [tilespmem:v13+s1+$0x0], $0xffff  }
0xbd: {  	[tilespmem:s15+$0xFFFFFF80] =	vst v15;
	v5 =	vld.idx.msk [tilespmem:v14+s1+$0x0], $0xffff  }
0xbe: {  	s3 =	sadd.s32 $0x100, s3;
	[tilespmem:s15+$0x0] =	vst v9;
	v6 =	vld.idx.msk [tilespmem:v7+s1+$0x0], $0xffff  }
0xbf: {  	[tilespmem:s15+$0x10] =	vst v1  }
0xc0: {  	[tilespmem:s15+$0x20] =	vst v2  }
0xc1: {  	[tilespmem:s15+$0x30] =	vst v3  }
0xc2: {  	[tilespmem:s15+$0x40] =	vst v4  }
0xc3: {  	[tilespmem:s15+$0x50] =	vst v5  }
0xc4: {  	[tilespmem:s15+$0x60] =	vst v6  }
0xc5: {  	s22 =	simm.s32 $0x1A700;
	s3 =	rddreg [dreg:$0xb]  }
0xc6: {  	[spmem:s3] =	stream.linear.scatter [tilespmem:s22], [sflag:$0x3], $0x800, $0x38;
	[tilespmem:$0x1FF80] =	vst v63  }
0xc7: {  	_ =	swait.ge [sflag:s14], $0x800  }
0xc8: {  	s16 =	simm.s32 $0x18F00;
	[sflag:s14] =	ssyncset.done $0x0  }
0xc9: {  	s22 =	simm.s32 $0x19780;
	s15 =	rddreg [dreg:$0xc];
	[sflag:s14] =	ssyncadd.s32 $0xFFFFF800  }
0xca: {  	[tilespmem:s16], [sflag:$0x2] =	stream.strided.gather [hbm4b:s15+s9], $0x800, s10, s9, $0x38;
	[tilespmem:$0x1FF80] =	vst v63  }
0xcb: {  	v1 =	vld [tilespmem:s22+$0x70]  }
0xcc: {  	v2 =	vld [tilespmem:s22+$0xFFFFFF90]  }
0xcd: {  	v3 =	vld [tilespmem:s22+$0xFFFFFFA0]  }
0xce: {  	v4 =	vld [tilespmem:s22+$0xFFFFFFB0]  }
0xcf: {  	v5 =	vld [tilespmem:s22+$0xFFFFFFC0]  }
0xd0: {  	v6 =	vld [tilespmem:s22+$0xFFFFFFD0]  }
0xd1: {  	v7 =	vld [tilespmem:s22+$0xFFFFFFE0]  }
0xd2: {  	v8 =	vld [tilespmem:s22+$0xFFFFFFF0]  }
0xd3: {  	v9 =	vld [tilespmem:s22+$0x0]  }
0xd4: {  	v10 =	vld [tilespmem:s22+$0x10]  }
0xd5: {  	v11 =	vld [tilespmem:s22+$0x20]  }
0xd6: {  	v12 =	vld [tilespmem:s22+$0x30]  }
0xd7: {  	v13 =	vld [tilespmem:s22+$0x40]  }
0xd8: {  	v14 =	vld [tilespmem:s22+$0x50]  }
0xd9: {  	v15 =	vld [tilespmem:s22+$0x60]  }
0xda: {  	v16 =	vld [tilespmem:s22+$0xFFFFFF80]  }
0xdb: {  	v1 =	vld.idx.msk [tilespmem:v1+s1+$0x0], $0xffff  }
0xdc: {  	v2 =	vld.idx.msk [tilespmem:v2+s1+$0x0], $0xffff  }
0xdd: {  	v3 =	vld.idx.msk [tilespmem:v3+s1+$0x0], $0xffff  }
0xde: {  	v4 =	vld.idx.msk [tilespmem:v4+s1+$0x0], $0xffff  }
0xdf: {  	v5 =	vld.idx.msk [tilespmem:v5+s1+$0x0], $0xffff  }
0xe0: {  	s15 =	simm.s32 $0x1AF80;
	v6 =	vld.idx.msk [tilespmem:v6+s1+$0x0], $0xffff  }
0xe1: {  	v7 =	vld.idx.msk [tilespmem:v7+s1+$0x0], $0xffff;
	[tilespmem:s15+$0x70] =	vst v1  }
0xe2: {  	v8 =	vld.idx.msk [tilespmem:v8+s1+$0x0], $0xffff;
	[tilespmem:s15+$0xFFFFFF90] =	vst v2  }
0xe3: {  	v16 =	vld.idx.msk [tilespmem:v16+s1+$0x0], $0xffff;
	[tilespmem:s15+$0xFFFFFFA0] =	vst v3  }
0xe4: {  	v9 =	vld.idx.msk [tilespmem:v9+s1+$0x0], $0xffff;
	[tilespmem:s15+$0xFFFFFFB0] =	vst v4  }
0xe5: {  	[tilespmem:s15+$0xFFFFFFC0] =	vst v5;
	v1 =	vld.idx.msk [tilespmem:v10+s1+$0x0], $0xffff  }
0xe6: {  	[tilespmem:s15+$0xFFFFFFD0] =	vst v6;
	v2 =	vld.idx.msk [tilespmem:v11+s1+$0x0], $0xffff  }
0xe7: {  	[tilespmem:s15+$0xFFFFFFE0] =	vst v7;
	v3 =	vld.idx.msk [tilespmem:v12+s1+$0x0], $0xffff  }
0xe8: {  	[tilespmem:s15+$0xFFFFFFF0] =	vst v8;
	v4 =	vld.idx.msk [tilespmem:v13+s1+$0x0], $0xffff  }
0xe9: {  	[tilespmem:s15+$0xFFFFFF80] =	vst v16;
	v5 =	vld.idx.msk [tilespmem:v14+s1+$0x0], $0xffff  }
0xea: {  	s3 =	simm.s32 $0x19880;
	s16 =	simm.s32 $0x0;
	[tilespmem:s15+$0x0] =	vst v9;
	v6 =	vld.idx.msk [tilespmem:v15+s1+$0x0], $0xffff  }
.LBB2_7:
0xeb: {  	v7 =	vld [tilespmem:s3+$0x70];
	s16 =	sadd.s32 $0x100, s16;
	[tilespmem:s15+$0x10] =	vst v1  }
0xec: {  	v1 =	vld [tilespmem:s3+$0xFFFFFF90];
	p1 =	slt.u32 s16, $0x700;
	[tilespmem:s15+$0x20] =	vst v2  }
0xed: {  	v2 =	vld [tilespmem:s3+$0xFFFFFFA0];
	[tilespmem:s15+$0x30] =	vst v3  }
0xee: {  	v3 =	vld [tilespmem:s3+$0xFFFFFFB0];
	[tilespmem:s15+$0x40] =	vst v4  }
0xef: {  	v4 =	vld [tilespmem:s3+$0xFFFFFFC0];
	[tilespmem:s15+$0x50] =	vst v5  }
0xf0: {  	v5 =	vld [tilespmem:s3+$0xFFFFFFD0];
	[tilespmem:s15+$0x60] =	vst v6  }
0xf1: {  	v6 =	vld [tilespmem:s3+$0xFFFFFFE0]  }
0xf2: {  	v8 =	vld [tilespmem:s3+$0xFFFFFFF0]  }
0xf3: {  	v7 =	vld.idx.msk [tilespmem:v7+s1+$0x0], $0xffff  }
0xf4: {  	v9 =	vld [tilespmem:s3+$0x0]  }
0xf5: {  	v10 =	vld [tilespmem:s3+$0x10]  }
0xf6: {  	v11 =	vld [tilespmem:s3+$0x20]  }
0xf7: {  	v12 =	vld [tilespmem:s3+$0x30]  }
0xf8: {  	s15 =	sadd.s32 $0x100, s15;
	v13 =	vld [tilespmem:s3+$0x40]  }
0xf9: {  	v14 =	vld [tilespmem:s3+$0x50];
	[tilespmem:s15+$0x70] =	vst v7  }
0xfa: {  	v7 =	vld [tilespmem:s3+$0x60]  }
0xfb: {  	v15 =	vld [tilespmem:s3+$0xFFFFFF80]  }
0xfc: {  	v1 =	vld.idx.msk [tilespmem:v1+s1+$0x0], $0xffff  }
0xfd: {  	v2 =	vld.idx.msk [tilespmem:v2+s1+$0x0], $0xffff  }
0xfe: {  	v3 =	vld.idx.msk [tilespmem:v3+s1+$0x0], $0xffff  }
0xff: {  	v4 =	vld.idx.msk [tilespmem:v4+s1+$0x0], $0xffff  }
0x100: {  	v5 =	vld.idx.msk [tilespmem:v5+s1+$0x0], $0xffff  }
0x101: {  	v6 =	vld.idx.msk [tilespmem:v6+s1+$0x0], $0xffff  }
0x102: {  	[tilespmem:s15+$0xFFFFFF90] =	vst v1;
	v8 =	vld.idx.msk [tilespmem:v8+s1+$0x0], $0xffff  }
0x103: {  	v15 =	vld.idx.msk [tilespmem:v15+s1+$0x0], $0xffff;
	[tilespmem:s15+$0xFFFFFFA0] =	vst v2  }
0x104: {  	[tilespmem:s15+$0xFFFFFFB0] =	vst v3;
	v9 =	vld.idx.msk [tilespmem:v9+s1+$0x0], $0xffff  }
0x105: {  	[tilespmem:s15+$0xFFFFFFC0] =	vst v4;
	v1 =	vld.idx.msk [tilespmem:v10+s1+$0x0], $0xffff  }
.Ltmp3:
0x106: {  	[tilespmem:s15+$0xFFFFFFD0] =	vst v5;
	v2 =	vld.idx.msk [tilespmem:v11+s1+$0x0], $0xffff;
	(pc) =	sbr.rel @p1 .LBB2_7-.Ltmp3, $4  }
0x107: {  	[tilespmem:s15+$0xFFFFFFE0] =	vst v6;
	v3 =	vld.idx.msk [tilespmem:v12+s1+$0x0], $0xffff  }
0x108: {  	[tilespmem:s15+$0xFFFFFFF0] =	vst v8;
	v4 =	vld.idx.msk [tilespmem:v13+s1+$0x0], $0xffff  }
0x109: {  	[tilespmem:s15+$0xFFFFFF80] =	vst v15;
	v5 =	vld.idx.msk [tilespmem:v14+s1+$0x0], $0xffff  }
0x10a: {  	s3 =	sadd.s32 $0x100, s3;
	[tilespmem:s15+$0x0] =	vst v9;
	v6 =	vld.idx.msk [tilespmem:v7+s1+$0x0], $0xffff  }
0x10b: {  	[tilespmem:s15+$0x10] =	vst v1  }
0x10c: {  	[tilespmem:s15+$0x20] =	vst v2  }
0x10d: {  	[tilespmem:s15+$0x30] =	vst v3  }
0x10e: {  	[tilespmem:s15+$0x40] =	vst v4  }
0x10f: {  	[tilespmem:s15+$0x50] =	vst v5  }
0x110: {  	[tilespmem:s15+$0x60] =	vst v6  }
0x111: {  	s22 =	simm.s32 $0x1AF00;
	s3 =	rddreg [dreg:$0xd]  }
0x112: {  	[spmem:s3] =	stream.linear.scatter [tilespmem:s22], [sflag:$0x3], $0x800, $0x38;
	[tilespmem:$0x1FF80] =	vst v63  }
0x113: {  	_ =	swait.ge [sflag:s14], $0x800  }
0x114: {  	[sflag:s14] =	ssyncset.done $0x0  }
0x115: {  	s16 =	simm.s32 $0x19700;
	s15 =	rddreg [dreg:$0xe];
	[sflag:s14] =	ssyncadd.s32 $0xFFFFF800  }
0x116: {  	[tilespmem:s16], [sflag:$0x2] =	stream.strided.gather [hbm4b:s15+s9], $0x800, s10, s9, $0x38;
	[tilespmem:$0x1FF80] =	vst v63  }
0x117: {  	_ =	swait.ge [sflag:s17], $0x800  }
0x118: {  	[sflag:s17] =	ssyncset.done $0x0  }
0x119: {  	s22 =	simm.s32 $0x18780;
	[sflag:s17] =	ssyncadd.s32 $0xFFFFF800  }
0x11a: {  	v1 =	vld [tilespmem:s22+$0x70]  }
0x11b: {  	v2 =	vld [tilespmem:s22+$0xFFFFFF90]  }
0x11c: {  	v3 =	vld [tilespmem:s22+$0xFFFFFFA0]  }
0x11d: {  	v4 =	vld [tilespmem:s22+$0xFFFFFFB0]  }
0x11e: {  	v5 =	vld [tilespmem:s22+$0xFFFFFFC0]  }
0x11f: {  	v6 =	vld [tilespmem:s22+$0xFFFFFFD0]  }
0x120: {  	v7 =	vld [tilespmem:s22+$0xFFFFFFE0]  }
0x121: {  	v8 =	vld [tilespmem:s22+$0xFFFFFFF0]  }
0x122: {  	v9 =	vld [tilespmem:s22+$0x0]  }
0x123: {  	v10 =	vld [tilespmem:s22+$0x10]  }
0x124: {  	v11 =	vld [tilespmem:s22+$0x20]  }
0x125: {  	v12 =	vld [tilespmem:s22+$0x30]  }
0x126: {  	v13 =	vld [tilespmem:s22+$0x40]  }
0x127: {  	v14 =	vld [tilespmem:s22+$0x50]  }
0x128: {  	v15 =	vld [tilespmem:s22+$0x60]  }
0x129: {  	v16 =	vld [tilespmem:s22+$0xFFFFFF80]  }
0x12a: {  	v1 =	vld.idx.msk [tilespmem:v1+s1+$0x0], $0xffff  }
0x12b: {  	v2 =	vld.idx.msk [tilespmem:v2+s1+$0x0], $0xffff  }
0x12c: {  	v3 =	vld.idx.msk [tilespmem:v3+s1+$0x0], $0xffff  }
0x12d: {  	v4 =	vld.idx.msk [tilespmem:v4+s1+$0x0], $0xffff  }
0x12e: {  	v5 =	vld.idx.msk [tilespmem:v5+s1+$0x0], $0xffff  }
0x12f: {  	s15 =	simm.s32 $0x19F80;
	v6 =	vld.idx.msk [tilespmem:v6+s1+$0x0], $0xffff  }
0x130: {  	v7 =	vld.idx.msk [tilespmem:v7+s1+$0x0], $0xffff;
	[tilespmem:s15+$0x70] =	vst v1  }
0x131: {  	v8 =	vld.idx.msk [tilespmem:v8+s1+$0x0], $0xffff;
	[tilespmem:s15+$0xFFFFFF90] =	vst v2  }
0x132: {  	v16 =	vld.idx.msk [tilespmem:v16+s1+$0x0], $0xffff;
	[tilespmem:s15+$0xFFFFFFA0] =	vst v3  }
0x133: {  	v9 =	vld.idx.msk [tilespmem:v9+s1+$0x0], $0xffff;
	[tilespmem:s15+$0xFFFFFFB0] =	vst v4  }
0x134: {  	[tilespmem:s15+$0xFFFFFFC0] =	vst v5;
	v1 =	vld.idx.msk [tilespmem:v10+s1+$0x0], $0xffff  }
0x135: {  	[tilespmem:s15+$0xFFFFFFD0] =	vst v6;
	v2 =	vld.idx.msk [tilespmem:v11+s1+$0x0], $0xffff  }
0x136: {  	[tilespmem:s15+$0xFFFFFFE0] =	vst v7;
	v3 =	vld.idx.msk [tilespmem:v12+s1+$0x0], $0xffff  }
0x137: {  	[tilespmem:s15+$0xFFFFFFF0] =	vst v8;
	v4 =	vld.idx.msk [tilespmem:v13+s1+$0x0], $0xffff  }
0x138: {  	[tilespmem:s15+$0xFFFFFF80] =	vst v16;
	v5 =	vld.idx.msk [tilespmem:v14+s1+$0x0], $0xffff  }
0x139: {  	s3 =	simm.s32 $0x18880;
	s16 =	simm.s32 $0x0;
	[tilespmem:s15+$0x0] =	vst v9;
	v6 =	vld.idx.msk [tilespmem:v15+s1+$0x0], $0xffff  }
.LBB2_9:
0x13a: {  	v7 =	vld [tilespmem:s3+$0x70];
	s16 =	sadd.s32 $0x100, s16;
	[tilespmem:s15+$0x10] =	vst v1  }
0x13b: {  	v1 =	vld [tilespmem:s3+$0xFFFFFF90];
	p1 =	slt.u32 s16, $0x700;
	[tilespmem:s15+$0x20] =	vst v2  }
0x13c: {  	v2 =	vld [tilespmem:s3+$0xFFFFFFA0];
	[tilespmem:s15+$0x30] =	vst v3  }
0x13d: {  	v3 =	vld [tilespmem:s3+$0xFFFFFFB0];
	[tilespmem:s15+$0x40] =	vst v4  }
0x13e: {  	v4 =	vld [tilespmem:s3+$0xFFFFFFC0];
	[tilespmem:s15+$0x50] =	vst v5  }
0x13f: {  	v5 =	vld [tilespmem:s3+$0xFFFFFFD0];
	[tilespmem:s15+$0x60] =	vst v6  }
0x140: {  	v6 =	vld [tilespmem:s3+$0xFFFFFFE0]  }
0x141: {  	v8 =	vld [tilespmem:s3+$0xFFFFFFF0]  }
0x142: {  	v7 =	vld.idx.msk [tilespmem:v7+s1+$0x0], $0xffff  }
0x143: {  	v9 =	vld [tilespmem:s3+$0x0]  }
0x144: {  	v10 =	vld [tilespmem:s3+$0x10]  }
0x145: {  	v11 =	vld [tilespmem:s3+$0x20]  }
0x146: {  	v12 =	vld [tilespmem:s3+$0x30]  }
0x147: {  	s15 =	sadd.s32 $0x100, s15;
	v13 =	vld [tilespmem:s3+$0x40]  }
0x148: {  	v14 =	vld [tilespmem:s3+$0x50];
	[tilespmem:s15+$0x70] =	vst v7  }
0x149: {  	v7 =	vld [tilespmem:s3+$0x60]  }
0x14a: {  	v15 =	vld [tilespmem:s3+$0xFFFFFF80]  }
0x14b: {  	v1 =	vld.idx.msk [tilespmem:v1+s1+$0x0], $0xffff  }
0x14c: {  	v2 =	vld.idx.msk [tilespmem:v2+s1+$0x0], $0xffff  }
0x14d: {  	v3 =	vld.idx.msk [tilespmem:v3+s1+$0x0], $0xffff  }
0x14e: {  	v4 =	vld.idx.msk [tilespmem:v4+s1+$0x0], $0xffff  }
0x14f: {  	v5 =	vld.idx.msk [tilespmem:v5+s1+$0x0], $0xffff  }
0x150: {  	v6 =	vld.idx.msk [tilespmem:v6+s1+$0x0], $0xffff  }
0x151: {  	[tilespmem:s15+$0xFFFFFF90] =	vst v1;
	v8 =	vld.idx.msk [tilespmem:v8+s1+$0x0], $0xffff  }
0x152: {  	v15 =	vld.idx.msk [tilespmem:v15+s1+$0x0], $0xffff;
	[tilespmem:s15+$0xFFFFFFA0] =	vst v2  }
0x153: {  	[tilespmem:s15+$0xFFFFFFB0] =	vst v3;
	v9 =	vld.idx.msk [tilespmem:v9+s1+$0x0], $0xffff  }
0x154: {  	[tilespmem:s15+$0xFFFFFFC0] =	vst v4;
	v1 =	vld.idx.msk [tilespmem:v10+s1+$0x0], $0xffff  }
.Ltmp4:
0x155: {  	[tilespmem:s15+$0xFFFFFFD0] =	vst v5;
	v2 =	vld.idx.msk [tilespmem:v11+s1+$0x0], $0xffff;
	(pc) =	sbr.rel @p1 .LBB2_9-.Ltmp4, $4  }
0x156: {  	[tilespmem:s15+$0xFFFFFFE0] =	vst v6;
	v3 =	vld.idx.msk [tilespmem:v12+s1+$0x0], $0xffff  }
0x157: {  	[tilespmem:s15+$0xFFFFFFF0] =	vst v8;
	v4 =	vld.idx.msk [tilespmem:v13+s1+$0x0], $0xffff  }
0x158: {  	[tilespmem:s15+$0xFFFFFF80] =	vst v15;
	v5 =	vld.idx.msk [tilespmem:v14+s1+$0x0], $0xffff  }
0x159: {  	s3 =	sadd.s32 $0x100, s3;
	[tilespmem:s15+$0x0] =	vst v9;
	v6 =	vld.idx.msk [tilespmem:v7+s1+$0x0], $0xffff  }
0x15a: {  	[tilespmem:s15+$0x10] =	vst v1  }
0x15b: {  	[tilespmem:s15+$0x20] =	vst v2  }
0x15c: {  	[tilespmem:s15+$0x30] =	vst v3  }
0x15d: {  	[tilespmem:s15+$0x40] =	vst v4  }
0x15e: {  	[tilespmem:s15+$0x50] =	vst v5  }
0x15f: {  	[tilespmem:s15+$0x60] =	vst v6  }
0x160: {  	s22 =	simm.s32 $0x19F00;
	s3 =	rddreg [dreg:$0xf]  }
0x161: {  	[spmem:s3] =	stream.linear.scatter [tilespmem:s22], [sflag:$0x3], $0x800, $0x38;
	[tilespmem:$0x1FF80] =	vst v63  }
0x162: {  	_ =	swait.ge [sflag:s14], $0x800  }
0x163: {  	[sflag:s14] =	ssyncset.done $0x0  }
0x164: {  	s16 =	simm.s32 $0x18700;
	s15 =	rddreg [dreg:$0x10];
	[sflag:s14] =	ssyncadd.s32 $0xFFFFF800  }
0x165: {  	[tilespmem:s16], [sflag:$0x2] =	stream.strided.gather [hbm4b:s15+s9], $0x800, s10, s9, $0x38;
	[tilespmem:$0x1FF80] =	vst v63  }
0x166: {  	_ =	swait.ge [sflag:s17], $0x800  }
0x167: {  	[sflag:s17] =	ssyncset.done $0x0  }
0x168: {  	s22 =	simm.s32 $0x18F80;
	[sflag:s17] =	ssyncadd.s32 $0xFFFFF800  }
0x169: {  	v1 =	vld [tilespmem:s22+$0x70]  }
0x16a: {  	v2 =	vld [tilespmem:s22+$0xFFFFFF90]  }
0x16b: {  	v3 =	vld [tilespmem:s22+$0xFFFFFFA0]  }
0x16c: {  	v4 =	vld [tilespmem:s22+$0xFFFFFFB0]  }
0x16d: {  	v5 =	vld [tilespmem:s22+$0xFFFFFFC0]  }
0x16e: {  	v6 =	vld [tilespmem:s22+$0xFFFFFFD0]  }
0x16f: {  	v7 =	vld [tilespmem:s22+$0xFFFFFFE0]  }
0x170: {  	v8 =	vld [tilespmem:s22+$0xFFFFFFF0]  }
0x171: {  	v9 =	vld [tilespmem:s22+$0x0]  }
0x172: {  	v10 =	vld [tilespmem:s22+$0x10]  }
0x173: {  	v11 =	vld [tilespmem:s22+$0x20]  }
0x174: {  	v12 =	vld [tilespmem:s22+$0x30]  }
0x175: {  	v13 =	vld [tilespmem:s22+$0x40]  }
0x176: {  	v14 =	vld [tilespmem:s22+$0x50]  }
0x177: {  	v15 =	vld [tilespmem:s22+$0x60]  }
0x178: {  	v16 =	vld [tilespmem:s22+$0xFFFFFF80]  }
0x179: {  	v1 =	vld.idx.msk [tilespmem:v1+s1+$0x0], $0xffff  }
0x17a: {  	v2 =	vld.idx.msk [tilespmem:v2+s1+$0x0], $0xffff  }
0x17b: {  	v3 =	vld.idx.msk [tilespmem:v3+s1+$0x0], $0xffff  }
0x17c: {  	v4 =	vld.idx.msk [tilespmem:v4+s1+$0x0], $0xffff  }
0x17d: {  	v5 =	vld.idx.msk [tilespmem:v5+s1+$0x0], $0xffff  }
0x17e: {  	s15 =	simm.s32 $0x1A780;
	v6 =	vld.idx.msk [tilespmem:v6+s1+$0x0], $0xffff  }
0x17f: {  	v7 =	vld.idx.msk [tilespmem:v7+s1+$0x0], $0xffff;
	[tilespmem:s15+$0x70] =	vst v1  }
0x180: {  	v8 =	vld.idx.msk [tilespmem:v8+s1+$0x0], $0xffff;
	[tilespmem:s15+$0xFFFFFF90] =	vst v2  }
0x181: {  	v16 =	vld.idx.msk [tilespmem:v16+s1+$0x0], $0xffff;
	[tilespmem:s15+$0xFFFFFFA0] =	vst v3  }
0x182: {  	v9 =	vld.idx.msk [tilespmem:v9+s1+$0x0], $0xffff;
	[tilespmem:s15+$0xFFFFFFB0] =	vst v4  }
0x183: {  	[tilespmem:s15+$0xFFFFFFC0] =	vst v5;
	v1 =	vld.idx.msk [tilespmem:v10+s1+$0x0], $0xffff  }
0x184: {  	[tilespmem:s15+$0xFFFFFFD0] =	vst v6;
	v2 =	vld.idx.msk [tilespmem:v11+s1+$0x0], $0xffff  }
0x185: {  	[tilespmem:s15+$0xFFFFFFE0] =	vst v7;
	v3 =	vld.idx.msk [tilespmem:v12+s1+$0x0], $0xffff  }
0x186: {  	[tilespmem:s15+$0xFFFFFFF0] =	vst v8;
	v4 =	vld.idx.msk [tilespmem:v13+s1+$0x0], $0xffff  }
0x187: {  	[tilespmem:s15+$0xFFFFFF80] =	vst v16;
	v5 =	vld.idx.msk [tilespmem:v14+s1+$0x0], $0xffff  }
0x188: {  	s3 =	simm.s32 $0x19080;
	s16 =	simm.s32 $0x0;
	[tilespmem:s15+$0x0] =	vst v9;
	v6 =	vld.idx.msk [tilespmem:v15+s1+$0x0], $0xffff  }
.LBB2_11:
0x189: {  	v7 =	vld [tilespmem:s3+$0x70];
	s16 =	sadd.s32 $0x100, s16;
	[tilespmem:s15+$0x10] =	vst v1  }
0x18a: {  	v1 =	vld [tilespmem:s3+$0xFFFFFF90];
	p1 =	slt.u32 s16, $0x700;
	[tilespmem:s15+$0x20] =	vst v2  }
0x18b: {  	v2 =	vld [tilespmem:s3+$0xFFFFFFA0];
	[tilespmem:s15+$0x30] =	vst v3  }
0x18c: {  	v3 =	vld [tilespmem:s3+$0xFFFFFFB0];
	[tilespmem:s15+$0x40] =	vst v4  }
0x18d: {  	v4 =	vld [tilespmem:s3+$0xFFFFFFC0];
	[tilespmem:s15+$0x50] =	vst v5  }
0x18e: {  	v5 =	vld [tilespmem:s3+$0xFFFFFFD0];
	[tilespmem:s15+$0x60] =	vst v6  }
0x18f: {  	v6 =	vld [tilespmem:s3+$0xFFFFFFE0]  }
0x190: {  	v8 =	vld [tilespmem:s3+$0xFFFFFFF0]  }
0x191: {  	v7 =	vld.idx.msk [tilespmem:v7+s1+$0x0], $0xffff  }
0x192: {  	v9 =	vld [tilespmem:s3+$0x0]  }
0x193: {  	v10 =	vld [tilespmem:s3+$0x10]  }
0x194: {  	v11 =	vld [tilespmem:s3+$0x20]  }
0x195: {  	v12 =	vld [tilespmem:s3+$0x30]  }
0x196: {  	s15 =	sadd.s32 $0x100, s15;
	v13 =	vld [tilespmem:s3+$0x40]  }
0x197: {  	v14 =	vld [tilespmem:s3+$0x50];
	[tilespmem:s15+$0x70] =	vst v7  }
0x198: {  	v7 =	vld [tilespmem:s3+$0x60]  }
0x199: {  	v15 =	vld [tilespmem:s3+$0xFFFFFF80]  }
0x19a: {  	v1 =	vld.idx.msk [tilespmem:v1+s1+$0x0], $0xffff  }
0x19b: {  	v2 =	vld.idx.msk [tilespmem:v2+s1+$0x0], $0xffff  }
0x19c: {  	v3 =	vld.idx.msk [tilespmem:v3+s1+$0x0], $0xffff  }
0x19d: {  	v4 =	vld.idx.msk [tilespmem:v4+s1+$0x0], $0xffff  }
0x19e: {  	v5 =	vld.idx.msk [tilespmem:v5+s1+$0x0], $0xffff  }
0x19f: {  	v6 =	vld.idx.msk [tilespmem:v6+s1+$0x0], $0xffff  }
0x1a0: {  	[tilespmem:s15+$0xFFFFFF90] =	vst v1;
	v8 =	vld.idx.msk [tilespmem:v8+s1+$0x0], $0xffff  }
0x1a1: {  	v15 =	vld.idx.msk [tilespmem:v15+s1+$0x0], $0xffff;
	[tilespmem:s15+$0xFFFFFFA0] =	vst v2  }
0x1a2: {  	[tilespmem:s15+$0xFFFFFFB0] =	vst v3;
	v9 =	vld.idx.msk [tilespmem:v9+s1+$0x0], $0xffff  }
0x1a3: {  	[tilespmem:s15+$0xFFFFFFC0] =	vst v4;
	v1 =	vld.idx.msk [tilespmem:v10+s1+$0x0], $0xffff  }
.Ltmp5:
0x1a4: {  	[tilespmem:s15+$0xFFFFFFD0] =	vst v5;
	v2 =	vld.idx.msk [tilespmem:v11+s1+$0x0], $0xffff;
	(pc) =	sbr.rel @p1 .LBB2_11-.Ltmp5, $4  }
0x1a5: {  	[tilespmem:s15+$0xFFFFFFE0] =	vst v6;
	v3 =	vld.idx.msk [tilespmem:v12+s1+$0x0], $0xffff  }
0x1a6: {  	[tilespmem:s15+$0xFFFFFFF0] =	vst v8;
	v4 =	vld.idx.msk [tilespmem:v13+s1+$0x0], $0xffff  }
0x1a7: {  	[tilespmem:s15+$0xFFFFFF80] =	vst v15;
	v5 =	vld.idx.msk [tilespmem:v14+s1+$0x0], $0xffff  }
0x1a8: {  	s3 =	sadd.s32 $0x100, s3;
	[tilespmem:s15+$0x0] =	vst v9;
	v6 =	vld.idx.msk [tilespmem:v7+s1+$0x0], $0xffff  }
0x1a9: {  	[tilespmem:s15+$0x10] =	vst v1  }
0x1aa: {  	[tilespmem:s15+$0x20] =	vst v2  }
0x1ab: {  	[tilespmem:s15+$0x30] =	vst v3  }
0x1ac: {  	[tilespmem:s15+$0x40] =	vst v4  }
0x1ad: {  	[tilespmem:s15+$0x50] =	vst v5  }
0x1ae: {  	[tilespmem:s15+$0x60] =	vst v6  }
0x1af: {  	s22 =	simm.s32 $0x1A700;
	s3 =	rddreg [dreg:$0x11]  }
0x1b0: {  	[spmem:s3] =	stream.linear.scatter [tilespmem:s22], [sflag:$0x3], $0x800, $0x38;
	[tilespmem:$0x1FF80] =	vst v63  }
0x1b1: {  	_ =	swait.ge [sflag:s14], $0x800  }
0x1b2: {  	[sflag:s14] =	ssyncset.done $0x0  }
0x1b3: {  	s16 =	simm.s32 $0x18F00;
	s15 =	rddreg [dreg:$0x12];
	[sflag:s14] =	ssyncadd.s32 $0xFFFFF800  }
0x1b4: {  	[tilespmem:s16], [sflag:$0x2] =	stream.strided.gather [hbm4b:s15+s9], $0x800, s10, s9, $0x38;
	[tilespmem:$0x1FF80] =	vst v63  }
0x1b5: {  	_ =	swait.ge [sflag:s17], $0x800  }
0x1b6: {  	[sflag:s17] =	ssyncset.done $0x0  }
0x1b7: {  	s22 =	simm.s32 $0x19780;
	[sflag:s17] =	ssyncadd.s32 $0xFFFFF800  }
0x1b8: {  	v1 =	vld [tilespmem:s22+$0x70]  }
0x1b9: {  	v2 =	vld [tilespmem:s22+$0xFFFFFF90]  }
0x1ba: {  	v3 =	vld [tilespmem:s22+$0xFFFFFFA0]  }
0x1bb: {  	v4 =	vld [tilespmem:s22+$0xFFFFFFB0]  }
0x1bc: {  	v5 =	vld [tilespmem:s22+$0xFFFFFFC0]  }
0x1bd: {  	v6 =	vld [tilespmem:s22+$0xFFFFFFD0]  }
0x1be: {  	v7 =	vld [tilespmem:s22+$0xFFFFFFE0]  }
0x1bf: {  	v8 =	vld [tilespmem:s22+$0xFFFFFFF0]  }
0x1c0: {  	v9 =	vld [tilespmem:s22+$0x0]  }
0x1c1: {  	v10 =	vld [tilespmem:s22+$0x10]  }
0x1c2: {  	v11 =	vld [tilespmem:s22+$0x20]  }
0x1c3: {  	v12 =	vld [tilespmem:s22+$0x30]  }
0x1c4: {  	v13 =	vld [tilespmem:s22+$0x40]  }
0x1c5: {  	v14 =	vld [tilespmem:s22+$0x50]  }
0x1c6: {  	v15 =	vld [tilespmem:s22+$0x60]  }
0x1c7: {  	v16 =	vld [tilespmem:s22+$0xFFFFFF80]  }
0x1c8: {  	v1 =	vld.idx.msk [tilespmem:v1+s1+$0x0], $0xffff  }
0x1c9: {  	v2 =	vld.idx.msk [tilespmem:v2+s1+$0x0], $0xffff  }
0x1ca: {  	v3 =	vld.idx.msk [tilespmem:v3+s1+$0x0], $0xffff  }
0x1cb: {  	v4 =	vld.idx.msk [tilespmem:v4+s1+$0x0], $0xffff  }
0x1cc: {  	v5 =	vld.idx.msk [tilespmem:v5+s1+$0x0], $0xffff  }
0x1cd: {  	s15 =	simm.s32 $0x1AF80;
	v6 =	vld.idx.msk [tilespmem:v6+s1+$0x0], $0xffff  }
0x1ce: {  	v7 =	vld.idx.msk [tilespmem:v7+s1+$0x0], $0xffff;
	[tilespmem:s15+$0x70] =	vst v1  }
0x1cf: {  	v8 =	vld.idx.msk [tilespmem:v8+s1+$0x0], $0xffff;
	[tilespmem:s15+$0xFFFFFF90] =	vst v2  }
0x1d0: {  	v16 =	vld.idx.msk [tilespmem:v16+s1+$0x0], $0xffff;
	[tilespmem:s15+$0xFFFFFFA0] =	vst v3  }
0x1d1: {  	v9 =	vld.idx.msk [tilespmem:v9+s1+$0x0], $0xffff;
	[tilespmem:s15+$0xFFFFFFB0] =	vst v4  }
0x1d2: {  	[tilespmem:s15+$0xFFFFFFC0] =	vst v5;
	v1 =	vld.idx.msk [tilespmem:v10+s1+$0x0], $0xffff  }
0x1d3: {  	[tilespmem:s15+$0xFFFFFFD0] =	vst v6;
	v2 =	vld.idx.msk [tilespmem:v11+s1+$0x0], $0xffff  }
0x1d4: {  	[tilespmem:s15+$0xFFFFFFE0] =	vst v7;
	v3 =	vld.idx.msk [tilespmem:v12+s1+$0x0], $0xffff  }
0x1d5: {  	[tilespmem:s15+$0xFFFFFFF0] =	vst v8;
	v4 =	vld.idx.msk [tilespmem:v13+s1+$0x0], $0xffff  }
0x1d6: {  	[tilespmem:s15+$0xFFFFFF80] =	vst v16;
	v5 =	vld.idx.msk [tilespmem:v14+s1+$0x0], $0xffff  }
0x1d7: {  	s3 =	simm.s32 $0x19880;
	s16 =	simm.s32 $0x0;
	[tilespmem:s15+$0x0] =	vst v9;
	v6 =	vld.idx.msk [tilespmem:v15+s1+$0x0], $0xffff  }
.LBB2_13:
0x1d8: {  	v7 =	vld [tilespmem:s3+$0x70];
	s16 =	sadd.s32 $0x100, s16;
	[tilespmem:s15+$0x10] =	vst v1  }
0x1d9: {  	v1 =	vld [tilespmem:s3+$0xFFFFFF90];
	p1 =	slt.u32 s16, $0x700;
	[tilespmem:s15+$0x20] =	vst v2  }
0x1da: {  	v2 =	vld [tilespmem:s3+$0xFFFFFFA0];
	[tilespmem:s15+$0x30] =	vst v3  }
0x1db: {  	v3 =	vld [tilespmem:s3+$0xFFFFFFB0];
	[tilespmem:s15+$0x40] =	vst v4  }
0x1dc: {  	v4 =	vld [tilespmem:s3+$0xFFFFFFC0];
	[tilespmem:s15+$0x50] =	vst v5  }
0x1dd: {  	v5 =	vld [tilespmem:s3+$0xFFFFFFD0];
	[tilespmem:s15+$0x60] =	vst v6  }
0x1de: {  	v6 =	vld [tilespmem:s3+$0xFFFFFFE0]  }
0x1df: {  	v8 =	vld [tilespmem:s3+$0xFFFFFFF0]  }
0x1e0: {  	v7 =	vld.idx.msk [tilespmem:v7+s1+$0x0], $0xffff  }
0x1e1: {  	v9 =	vld [tilespmem:s3+$0x0]  }
0x1e2: {  	v10 =	vld [tilespmem:s3+$0x10]  }
0x1e3: {  	v11 =	vld [tilespmem:s3+$0x20]  }
0x1e4: {  	v12 =	vld [tilespmem:s3+$0x30]  }
0x1e5: {  	s15 =	sadd.s32 $0x100, s15;
	v13 =	vld [tilespmem:s3+$0x40]  }
0x1e6: {  	v14 =	vld [tilespmem:s3+$0x50];
	[tilespmem:s15+$0x70] =	vst v7  }
0x1e7: {  	v7 =	vld [tilespmem:s3+$0x60]  }
0x1e8: {  	v15 =	vld [tilespmem:s3+$0xFFFFFF80]  }
0x1e9: {  	v1 =	vld.idx.msk [tilespmem:v1+s1+$0x0], $0xffff  }
0x1ea: {  	v2 =	vld.idx.msk [tilespmem:v2+s1+$0x0], $0xffff  }
0x1eb: {  	v3 =	vld.idx.msk [tilespmem:v3+s1+$0x0], $0xffff  }
0x1ec: {  	v4 =	vld.idx.msk [tilespmem:v4+s1+$0x0], $0xffff  }
0x1ed: {  	v5 =	vld.idx.msk [tilespmem:v5+s1+$0x0], $0xffff  }
0x1ee: {  	v6 =	vld.idx.msk [tilespmem:v6+s1+$0x0], $0xffff  }
0x1ef: {  	[tilespmem:s15+$0xFFFFFF90] =	vst v1;
	v8 =	vld.idx.msk [tilespmem:v8+s1+$0x0], $0xffff  }
0x1f0: {  	v15 =	vld.idx.msk [tilespmem:v15+s1+$0x0], $0xffff;
	[tilespmem:s15+$0xFFFFFFA0] =	vst v2  }
0x1f1: {  	[tilespmem:s15+$0xFFFFFFB0] =	vst v3;
	v9 =	vld.idx.msk [tilespmem:v9+s1+$0x0], $0xffff  }
0x1f2: {  	[tilespmem:s15+$0xFFFFFFC0] =	vst v4;
	v1 =	vld.idx.msk [tilespmem:v10+s1+$0x0], $0xffff  }
.Ltmp6:
0x1f3: {  	[tilespmem:s15+$0xFFFFFFD0] =	vst v5;
	v2 =	vld.idx.msk [tilespmem:v11+s1+$0x0], $0xffff;
	(pc) =	sbr.rel @p1 .LBB2_13-.Ltmp6, $4  }
0x1f4: {  	[tilespmem:s15+$0xFFFFFFE0] =	vst v6;
	v3 =	vld.idx.msk [tilespmem:v12+s1+$0x0], $0xffff  }
0x1f5: {  	[tilespmem:s15+$0xFFFFFFF0] =	vst v8;
	v4 =	vld.idx.msk [tilespmem:v13+s1+$0x0], $0xffff  }
0x1f6: {  	[tilespmem:s15+$0xFFFFFF80] =	vst v15;
	v5 =	vld.idx.msk [tilespmem:v14+s1+$0x0], $0xffff  }
0x1f7: {  	s3 =	sadd.s32 $0x100, s3;
	[tilespmem:s15+$0x0] =	vst v9;
	v6 =	vld.idx.msk [tilespmem:v7+s1+$0x0], $0xffff  }
0x1f8: {  	[tilespmem:s15+$0x10] =	vst v1  }
0x1f9: {  	[tilespmem:s15+$0x20] =	vst v2  }
0x1fa: {  	[tilespmem:s15+$0x30] =	vst v3  }
0x1fb: {  	[tilespmem:s15+$0x40] =	vst v4  }
0x1fc: {  	[tilespmem:s15+$0x50] =	vst v5  }
0x1fd: {  	[tilespmem:s15+$0x60] =	vst v6  }
0x1fe: {  	s16 =	simm.s32 $0x1AF00;
	s3 =	rddreg [dreg:$0x13]  }
0x1ff: {  	[spmem:s3] =	stream.linear.scatter [tilespmem:s16], [sflag:$0x3], $0x800, $0x38;
	[tilespmem:$0x1FF80] =	vst v63  }
0x200: {  	_ =	swait.ge [sflag:s14], $0x800  }
0x201: {  	[sflag:s14] =	ssyncset.done $0x0  }
0x202: {  	[sflag:s14] =	ssyncadd.s32 $0xFFFFF800  }
0x203: {  	_ =	swait.ge [sflag:s17], $0x800  }
0x204: {  	[sflag:s17] =	ssyncset.done $0x0  }
0x205: {  	s22 =	simm.s32 $0x18780;
	[sflag:s17] =	ssyncadd.s32 $0xFFFFF800  }
0x206: {  	v1 =	vld [tilespmem:s22+$0x70]  }
0x207: {  	v2 =	vld [tilespmem:s22+$0xFFFFFF90]  }
0x208: {  	v3 =	vld [tilespmem:s22+$0xFFFFFFA0]  }
0x209: {  	v4 =	vld [tilespmem:s22+$0xFFFFFFB0]  }
0x20a: {  	v5 =	vld [tilespmem:s22+$0xFFFFFFC0]  }
0x20b: {  	v6 =	vld [tilespmem:s22+$0xFFFFFFD0]  }
0x20c: {  	v7 =	vld [tilespmem:s22+$0xFFFFFFE0]  }
0x20d: {  	v8 =	vld [tilespmem:s22+$0xFFFFFFF0]  }
0x20e: {  	v9 =	vld [tilespmem:s22+$0x0]  }
0x20f: {  	v10 =	vld [tilespmem:s22+$0x10]  }
0x210: {  	v11 =	vld [tilespmem:s22+$0x20]  }
0x211: {  	v12 =	vld [tilespmem:s22+$0x30]  }
0x212: {  	v13 =	vld [tilespmem:s22+$0x40]  }
0x213: {  	v14 =	vld [tilespmem:s22+$0x50]  }
0x214: {  	v15 =	vld [tilespmem:s22+$0x60]  }
0x215: {  	v16 =	vld [tilespmem:s22+$0xFFFFFF80]  }
0x216: {  	v1 =	vld.idx.msk [tilespmem:v1+s1+$0x0], $0xffff  }
0x217: {  	v2 =	vld.idx.msk [tilespmem:v2+s1+$0x0], $0xffff  }
0x218: {  	v3 =	vld.idx.msk [tilespmem:v3+s1+$0x0], $0xffff  }
0x219: {  	v4 =	vld.idx.msk [tilespmem:v4+s1+$0x0], $0xffff  }
0x21a: {  	v5 =	vld.idx.msk [tilespmem:v5+s1+$0x0], $0xffff  }
0x21b: {  	s15 =	simm.s32 $0x19F80;
	v6 =	vld.idx.msk [tilespmem:v6+s1+$0x0], $0xffff  }
0x21c: {  	v7 =	vld.idx.msk [tilespmem:v7+s1+$0x0], $0xffff;
	[tilespmem:s15+$0x70] =	vst v1  }
0x21d: {  	v8 =	vld.idx.msk [tilespmem:v8+s1+$0x0], $0xffff;
	[tilespmem:s15+$0xFFFFFF90] =	vst v2  }
0x21e: {  	v16 =	vld.idx.msk [tilespmem:v16+s1+$0x0], $0xffff;
	[tilespmem:s15+$0xFFFFFFA0] =	vst v3  }
0x21f: {  	v9 =	vld.idx.msk [tilespmem:v9+s1+$0x0], $0xffff;
	[tilespmem:s15+$0xFFFFFFB0] =	vst v4  }
0x220: {  	[tilespmem:s15+$0xFFFFFFC0] =	vst v5;
	v1 =	vld.idx.msk [tilespmem:v10+s1+$0x0], $0xffff  }
0x221: {  	[tilespmem:s15+$0xFFFFFFD0] =	vst v6;
	v2 =	vld.idx.msk [tilespmem:v11+s1+$0x0], $0xffff  }
0x222: {  	[tilespmem:s15+$0xFFFFFFE0] =	vst v7;
	v3 =	vld.idx.msk [tilespmem:v12+s1+$0x0], $0xffff  }
0x223: {  	[tilespmem:s15+$0xFFFFFFF0] =	vst v8;
	v4 =	vld.idx.msk [tilespmem:v13+s1+$0x0], $0xffff  }
0x224: {  	[tilespmem:s15+$0xFFFFFF80] =	vst v16;
	v5 =	vld.idx.msk [tilespmem:v14+s1+$0x0], $0xffff  }
0x225: {  	s16 =	simm.s32 $0x0;
	s3 =	simm.s32 $0x18880;
	[tilespmem:s15+$0x0] =	vst v9;
	v6 =	vld.idx.msk [tilespmem:v15+s1+$0x0], $0xffff  }
.LBB2_15:
0x226: {  	v7 =	vld [tilespmem:s3+$0x70];
	s16 =	sadd.s32 $0x100, s16;
	[tilespmem:s15+$0x10] =	vst v1  }
0x227: {  	v1 =	vld [tilespmem:s3+$0xFFFFFF90];
	p1 =	slt.u32 s16, $0x700;
	[tilespmem:s15+$0x20] =	vst v2  }
0x228: {  	v2 =	vld [tilespmem:s3+$0xFFFFFFA0];
	[tilespmem:s15+$0x30] =	vst v3  }
0x229: {  	v3 =	vld [tilespmem:s3+$0xFFFFFFB0];
	[tilespmem:s15+$0x40] =	vst v4  }
0x22a: {  	v4 =	vld [tilespmem:s3+$0xFFFFFFC0];
	[tilespmem:s15+$0x50] =	vst v5  }
0x22b: {  	v5 =	vld [tilespmem:s3+$0xFFFFFFD0];
	[tilespmem:s15+$0x60] =	vst v6  }
0x22c: {  	v6 =	vld [tilespmem:s3+$0xFFFFFFE0]  }
0x22d: {  	v8 =	vld [tilespmem:s3+$0xFFFFFFF0]  }
0x22e: {  	v7 =	vld.idx.msk [tilespmem:v7+s1+$0x0], $0xffff  }
0x22f: {  	v9 =	vld [tilespmem:s3+$0x0]  }
0x230: {  	v10 =	vld [tilespmem:s3+$0x10]  }
0x231: {  	v11 =	vld [tilespmem:s3+$0x20]  }
0x232: {  	v12 =	vld [tilespmem:s3+$0x30]  }
0x233: {  	s15 =	sadd.s32 $0x100, s15;
	v13 =	vld [tilespmem:s3+$0x40]  }
0x234: {  	v14 =	vld [tilespmem:s3+$0x50];
	[tilespmem:s15+$0x70] =	vst v7  }
0x235: {  	v7 =	vld [tilespmem:s3+$0x60]  }
0x236: {  	v15 =	vld [tilespmem:s3+$0xFFFFFF80]  }
0x237: {  	v1 =	vld.idx.msk [tilespmem:v1+s1+$0x0], $0xffff  }
0x238: {  	v2 =	vld.idx.msk [tilespmem:v2+s1+$0x0], $0xffff  }
0x239: {  	v3 =	vld.idx.msk [tilespmem:v3+s1+$0x0], $0xffff  }
0x23a: {  	v4 =	vld.idx.msk [tilespmem:v4+s1+$0x0], $0xffff  }
0x23b: {  	v5 =	vld.idx.msk [tilespmem:v5+s1+$0x0], $0xffff  }
0x23c: {  	v6 =	vld.idx.msk [tilespmem:v6+s1+$0x0], $0xffff  }
0x23d: {  	[tilespmem:s15+$0xFFFFFF90] =	vst v1;
	v8 =	vld.idx.msk [tilespmem:v8+s1+$0x0], $0xffff  }
0x23e: {  	v15 =	vld.idx.msk [tilespmem:v15+s1+$0x0], $0xffff;
	[tilespmem:s15+$0xFFFFFFA0] =	vst v2  }
0x23f: {  	[tilespmem:s15+$0xFFFFFFB0] =	vst v3;
	v9 =	vld.idx.msk [tilespmem:v9+s1+$0x0], $0xffff  }
0x240: {  	[tilespmem:s15+$0xFFFFFFC0] =	vst v4;
	v1 =	vld.idx.msk [tilespmem:v10+s1+$0x0], $0xffff  }
.Ltmp7:
0x241: {  	[tilespmem:s15+$0xFFFFFFD0] =	vst v5;
	v2 =	vld.idx.msk [tilespmem:v11+s1+$0x0], $0xffff;
	(pc) =	sbr.rel @p1 .LBB2_15-.Ltmp7, $4  }
0x242: {  	[tilespmem:s15+$0xFFFFFFE0] =	vst v6;
	v3 =	vld.idx.msk [tilespmem:v12+s1+$0x0], $0xffff  }
0x243: {  	[tilespmem:s15+$0xFFFFFFF0] =	vst v8;
	v4 =	vld.idx.msk [tilespmem:v13+s1+$0x0], $0xffff  }
0x244: {  	[tilespmem:s15+$0xFFFFFF80] =	vst v15;
	v5 =	vld.idx.msk [tilespmem:v14+s1+$0x0], $0xffff  }
0x245: {  	s3 =	sadd.s32 $0x100, s3;
	[tilespmem:s15+$0x0] =	vst v9;
	v6 =	vld.idx.msk [tilespmem:v7+s1+$0x0], $0xffff  }
0x246: {  	[tilespmem:s15+$0x10] =	vst v1  }
0x247: {  	[tilespmem:s15+$0x20] =	vst v2  }
0x248: {  	[tilespmem:s15+$0x30] =	vst v3  }
0x249: {  	[tilespmem:s15+$0x40] =	vst v4  }
0x24a: {  	[tilespmem:s15+$0x50] =	vst v5  }
0x24b: {  	[tilespmem:s15+$0x60] =	vst v6  }
0x24c: {  	s16 =	simm.s32 $0x19F00;
	s3 =	rddreg [dreg:$0x14]  }
0x24d: {  	[spmem:s3] =	stream.linear.scatter [tilespmem:s16], [sflag:$0x3], $0x800, $0x38;
	[tilespmem:$0x1FF80] =	vst v63  }
0x24e: {  	_ =	swait.ge [sflag:s14], $0x800  }
0x24f: {  	[sflag:s14] =	ssyncset.done $0x0  }
0x250: {  	[sflag:s14] =	ssyncadd.s32 $0xFFFFF800  }
0x251: {  	_ =	swait.ge [sflag:s17], $0x800  }
0x252: {  	[sflag:s17] =	ssyncset.done $0x0  }
0x253: {  	s22 =	simm.s32 $0x18F80;
	[sflag:s17] =	ssyncadd.s32 $0xFFFFF800  }
0x254: {  	v1 =	vld [tilespmem:s22+$0x70]  }
0x255: {  	v2 =	vld [tilespmem:s22+$0xFFFFFF90]  }
0x256: {  	v3 =	vld [tilespmem:s22+$0xFFFFFFA0]  }
0x257: {  	v4 =	vld [tilespmem:s22+$0xFFFFFFB0]  }
0x258: {  	v5 =	vld [tilespmem:s22+$0xFFFFFFC0]  }
0x259: {  	v6 =	vld [tilespmem:s22+$0xFFFFFFD0]  }
0x25a: {  	v7 =	vld [tilespmem:s22+$0xFFFFFFE0]  }
0x25b: {  	v8 =	vld [tilespmem:s22+$0xFFFFFFF0]  }
0x25c: {  	v9 =	vld [tilespmem:s22+$0x0]  }
0x25d: {  	v10 =	vld [tilespmem:s22+$0x10]  }
0x25e: {  	v11 =	vld [tilespmem:s22+$0x20]  }
0x25f: {  	v12 =	vld [tilespmem:s22+$0x30]  }
0x260: {  	v13 =	vld [tilespmem:s22+$0x40]  }
0x261: {  	v14 =	vld [tilespmem:s22+$0x50]  }
0x262: {  	v15 =	vld [tilespmem:s22+$0x60]  }
0x263: {  	v16 =	vld [tilespmem:s22+$0xFFFFFF80]  }
0x264: {  	v1 =	vld.idx.msk [tilespmem:v1+s1+$0x0], $0xffff  }
0x265: {  	v2 =	vld.idx.msk [tilespmem:v2+s1+$0x0], $0xffff  }
0x266: {  	v3 =	vld.idx.msk [tilespmem:v3+s1+$0x0], $0xffff  }
0x267: {  	v4 =	vld.idx.msk [tilespmem:v4+s1+$0x0], $0xffff  }
0x268: {  	v5 =	vld.idx.msk [tilespmem:v5+s1+$0x0], $0xffff  }
0x269: {  	s15 =	simm.s32 $0x1A780;
	v6 =	vld.idx.msk [tilespmem:v6+s1+$0x0], $0xffff  }
0x26a: {  	v7 =	vld.idx.msk [tilespmem:v7+s1+$0x0], $0xffff;
	[tilespmem:s15+$0x70] =	vst v1  }
0x26b: {  	v8 =	vld.idx.msk [tilespmem:v8+s1+$0x0], $0xffff;
	[tilespmem:s15+$0xFFFFFF90] =	vst v2  }
0x26c: {  	v16 =	vld.idx.msk [tilespmem:v16+s1+$0x0], $0xffff;
	[tilespmem:s15+$0xFFFFFFA0] =	vst v3  }
0x26d: {  	v9 =	vld.idx.msk [tilespmem:v9+s1+$0x0], $0xffff;
	[tilespmem:s15+$0xFFFFFFB0] =	vst v4  }
0x26e: {  	[tilespmem:s15+$0xFFFFFFC0] =	vst v5;
	v1 =	vld.idx.msk [tilespmem:v10+s1+$0x0], $0xffff  }
0x26f: {  	[tilespmem:s15+$0xFFFFFFD0] =	vst v6;
	v2 =	vld.idx.msk [tilespmem:v11+s1+$0x0], $0xffff  }
0x270: {  	[tilespmem:s15+$0xFFFFFFE0] =	vst v7;
	v3 =	vld.idx.msk [tilespmem:v12+s1+$0x0], $0xffff  }
0x271: {  	[tilespmem:s15+$0xFFFFFFF0] =	vst v8;
	v4 =	vld.idx.msk [tilespmem:v13+s1+$0x0], $0xffff  }
0x272: {  	[tilespmem:s15+$0xFFFFFF80] =	vst v16;
	v5 =	vld.idx.msk [tilespmem:v14+s1+$0x0], $0xffff  }
0x273: {  	s16 =	simm.s32 $0x0;
	s3 =	simm.s32 $0x19080;
	[tilespmem:s15+$0x0] =	vst v9;
	v6 =	vld.idx.msk [tilespmem:v15+s1+$0x0], $0xffff  }
.LBB2_17:
0x274: {  	v7 =	vld [tilespmem:s3+$0x70];
	s16 =	sadd.s32 $0x100, s16;
	[tilespmem:s15+$0x10] =	vst v1  }
0x275: {  	v1 =	vld [tilespmem:s3+$0xFFFFFF90];
	p1 =	slt.u32 s16, $0x700;
	[tilespmem:s15+$0x20] =	vst v2  }
0x276: {  	v2 =	vld [tilespmem:s3+$0xFFFFFFA0];
	[tilespmem:s15+$0x30] =	vst v3  }
0x277: {  	v3 =	vld [tilespmem:s3+$0xFFFFFFB0];
	[tilespmem:s15+$0x40] =	vst v4  }
0x278: {  	v4 =	vld [tilespmem:s3+$0xFFFFFFC0];
	[tilespmem:s15+$0x50] =	vst v5  }
0x279: {  	v5 =	vld [tilespmem:s3+$0xFFFFFFD0];
	[tilespmem:s15+$0x60] =	vst v6  }
0x27a: {  	v6 =	vld [tilespmem:s3+$0xFFFFFFE0]  }
0x27b: {  	v8 =	vld [tilespmem:s3+$0xFFFFFFF0]  }
0x27c: {  	v7 =	vld.idx.msk [tilespmem:v7+s1+$0x0], $0xffff  }
0x27d: {  	v9 =	vld [tilespmem:s3+$0x0]  }
0x27e: {  	v10 =	vld [tilespmem:s3+$0x10]  }
0x27f: {  	v11 =	vld [tilespmem:s3+$0x20]  }
0x280: {  	v12 =	vld [tilespmem:s3+$0x30]  }
0x281: {  	s15 =	sadd.s32 $0x100, s15;
	v13 =	vld [tilespmem:s3+$0x40]  }
0x282: {  	v14 =	vld [tilespmem:s3+$0x50];
	[tilespmem:s15+$0x70] =	vst v7  }
0x283: {  	v7 =	vld [tilespmem:s3+$0x60]  }
0x284: {  	v15 =	vld [tilespmem:s3+$0xFFFFFF80]  }
0x285: {  	v1 =	vld.idx.msk [tilespmem:v1+s1+$0x0], $0xffff  }
0x286: {  	v2 =	vld.idx.msk [tilespmem:v2+s1+$0x0], $0xffff  }
0x287: {  	v3 =	vld.idx.msk [tilespmem:v3+s1+$0x0], $0xffff  }
0x288: {  	v4 =	vld.idx.msk [tilespmem:v4+s1+$0x0], $0xffff  }
0x289: {  	v5 =	vld.idx.msk [tilespmem:v5+s1+$0x0], $0xffff  }
0x28a: {  	v6 =	vld.idx.msk [tilespmem:v6+s1+$0x0], $0xffff  }
0x28b: {  	[tilespmem:s15+$0xFFFFFF90] =	vst v1;
	v8 =	vld.idx.msk [tilespmem:v8+s1+$0x0], $0xffff  }
0x28c: {  	v15 =	vld.idx.msk [tilespmem:v15+s1+$0x0], $0xffff;
	[tilespmem:s15+$0xFFFFFFA0] =	vst v2  }
0x28d: {  	[tilespmem:s15+$0xFFFFFFB0] =	vst v3;
	v9 =	vld.idx.msk [tilespmem:v9+s1+$0x0], $0xffff  }
0x28e: {  	[tilespmem:s15+$0xFFFFFFC0] =	vst v4;
	v1 =	vld.idx.msk [tilespmem:v10+s1+$0x0], $0xffff  }
.Ltmp8:
0x28f: {  	[tilespmem:s15+$0xFFFFFFD0] =	vst v5;
	v2 =	vld.idx.msk [tilespmem:v11+s1+$0x0], $0xffff;
	(pc) =	sbr.rel @p1 .LBB2_17-.Ltmp8, $4  }
0x290: {  	[tilespmem:s15+$0xFFFFFFE0] =	vst v6;
	v3 =	vld.idx.msk [tilespmem:v12+s1+$0x0], $0xffff  }
0x291: {  	[tilespmem:s15+$0xFFFFFFF0] =	vst v8;
	v4 =	vld.idx.msk [tilespmem:v13+s1+$0x0], $0xffff  }
0x292: {  	[tilespmem:s15+$0xFFFFFF80] =	vst v15;
	v5 =	vld.idx.msk [tilespmem:v14+s1+$0x0], $0xffff  }
0x293: {  	s3 =	sadd.s32 $0x100, s3;
	[tilespmem:s15+$0x0] =	vst v9;
	v6 =	vld.idx.msk [tilespmem:v7+s1+$0x0], $0xffff  }
0x294: {  	[tilespmem:s15+$0x10] =	vst v1  }
0x295: {  	[tilespmem:s15+$0x20] =	vst v2  }
0x296: {  	[tilespmem:s15+$0x30] =	vst v3  }
0x297: {  	[tilespmem:s15+$0x40] =	vst v4  }
0x298: {  	[tilespmem:s15+$0x50] =	vst v5  }
0x299: {  	[tilespmem:s15+$0x60] =	vst v6  }
0x29a: {  	s22 =	simm.s32 $0x1A700;
	s3 =	rddreg [dreg:$0x15]  }
0x29b: {  	[spmem:s3] =	stream.linear.scatter [tilespmem:s22], [sflag:$0x3], $0x800, $0x38;
	[tilespmem:$0x1FF80] =	vst v63  }
0x29c: {  	_ =	swait.ge [sflag:s17], $0x800  }
0x29d: {  	[sflag:s17] =	ssyncset.done $0x0  }
0x29e: {  	[sflag:s17] =	ssyncadd.s32 $0xFFFFF800  }
0x29f: {  	_ =	swait.ge [sflag:s17], $0x800  }
0x2a0: {  	[sflag:s17] =	ssyncset.done $0x0  }
0x2a1: {  	[sflag:s17] =	ssyncadd.s32 $0xFFFFF800  }
0x2a2: {  	_ =	swait.ge [sflag:s17], $0x800  }
0x2a3: {  	[sflag:s17] =	ssyncset.done $0x0  }
0x2a4: {  	[sflag:s17] =	ssyncadd.s32 $0xFFFFF800  }
.LBB2_19:
0x2a5: {  	[bflag:$0x0] =	sbarrier.arrive $0xFFFF  }
0x2a6: {  	_ =	swait.ge [sflag:s18], $0x80  }
0x2a7: {  	[sflag:s18] =	ssyncset.done $0x0  }
0x2a8: {  	[sflag:s18] =	ssyncadd.s32 $0xFFFFFF80  }
0x2a9: {  	v1 =	vld [tilespmem:$0x1FF00];
	_ =	sdelay $0x4  }
0x2aa: {  	v1 =	vmul.f32 v1, v0  }
0x2ab: {  	s3 =	simm.s32 $0x1EB40  }
0x2ac: {  	[tilespmem:s3+$0xFFFFFFC0] =	vst v1  }
0x2ad: {  	[tilespmem:s3+$0x30] =	vst v1  }
0x2ae: {  	[tilespmem:s3+$0x20] =	vst v1  }
0x2af: {  	[tilespmem:s3+$0x10] =	vst v1  }
0x2b0: {  	[tilespmem:s3+$0x0] =	vst v1  }
0x2b1: {  	[tilespmem:s3+$0xFFFFFFF0] =	vst v1  }
0x2b2: {  	s15 =	simm.s32 $0x0;
	[tilespmem:s3+$0xFFFFFFE0] =	vst v1  }
.LBB2_20:
0x2b3: {  	s15 =	sadd.s32 $0x80, s15;
	[tilespmem:s3+$0xFFFFFFD0] =	vst v1;
	s3 =	sadd.s32 $0x80, s3  }
0x2b4: {  	[tilespmem:s3+$0xFFFFFFC0] =	vst v1;
	p1 =	slt.u32 s15, $0x380  }
0x2b5: {  	[tilespmem:s3+$0x30] =	vst v1  }
.Ltmp9:
0x2b6: {  	[tilespmem:s3+$0x20] =	vst v1;
	(pc) =	sbr.rel @p1 .LBB2_20-.Ltmp9, $4  }
0x2b7: {  	[tilespmem:s3+$0x10] =	vst v1  }
0x2b8: {  	[tilespmem:s3+$0x0] =	vst v1  }
0x2b9: {  	[tilespmem:s3+$0xFFFFFFF0] =	vst v1  }
0x2ba: {  	[tilespmem:s3+$0xFFFFFFE0] =	vst v1  }
0x2bb: {  	[tilespmem:s3+$0xFFFFFFD0] =	vst v1  }
0x2bc: {  	[tilespmem:s19], [sflag:$0x1] =	stream.linear.gather [spmem:s20], $0x400, $0x38;
	[tilespmem:$0x1FF80] =	vst v63  }
0x2bd: {  	s3 =	rddreg [dreg:$0x16]  }
0x2be: {  	[tilespmem:s21], [sflag:$0x1] =	stream.linear.gather [spmem:s3], $0x400, $0x38;
	[tilespmem:$0x1FF80] =	vst v63  }
0x2bf: {  	_ = 	snop  }
0x2c0: {  	[tilespmem:s4], [sflag:$0x1] =	stream.linear.gather [spmem:s25], $0x400, $0x38;
	[tilespmem:$0x1FF80] =	vst v63  }
0x2c1: {  	_ =	swait.ge [sflag:s13], $0x400  }
0x2c2: {  	[sflag:s13] =	ssyncset.done $0x0  }
0x2c3: {  	s15 =	simm.s32 $0x1EB40;
	[sflag:s13] =	ssyncadd.s32 $0xFFFFFC00  }
0x2c4: {  	[tilespmem:s7], [sflag:$0x1] =	stream.linear.gather [spmem:s26], $0x400, $0x38;
	[tilespmem:$0x1FF80] =	vst v63  }
0x2c5: {  	s3 =	simm.s32 $0x1EF40;
	v2 =	vld [tilespmem:s15+$0x30]  }
0x2c6: {  	v3 =	vld [tilespmem:s3+$0x30]  }
0x2c7: {  	v1 =	vld [tilespmem:s3+$0xFFFFFFC0]  }
0x2c8: {  	v4 =	vld [tilespmem:s15+$0xFFFFFFD0]  }
0x2c9: {  	v5 =	vld [tilespmem:s3+$0xFFFFFFD0]  }
0x2ca: {  	v6 =	vld [tilespmem:s15+$0xFFFFFFE0]  }
0x2cb: {  	v7 =	vld [tilespmem:s3+$0xFFFFFFE0]  }
0x2cc: {  	v8 =	vld [tilespmem:s15+$0xFFFFFFF0]  }
0x2cd: {  	v9 =	vld [tilespmem:s3+$0xFFFFFFF0]  }
0x2ce: {  	v10 =	vld [tilespmem:s15+$0x0]  }
0x2cf: {  	v11 =	vld [tilespmem:s3+$0x0];
	v3 =	vadd.f32 v3, v2  }
0x2d0: {  	v5 =	vadd.f32 v5, v4;
	v2 =	vld [tilespmem:s15+$0x10]  }
0x2d1: {  	v6 =	vadd.f32 v7, v6;
	v4 =	vld [tilespmem:s3+$0x10];
	[tilespmem:s15+$0x30] =	vst v3  }
0x2d2: {  	v7 =	vadd.f32 v9, v8;
	[tilespmem:s15+$0xFFFFFFD0] =	vst v5;
	v3 =	vld [tilespmem:s15+$0x20]  }
0x2d3: {  	[tilespmem:s15+$0xFFFFFFE0] =	vst v6;
	v6 =	vld [tilespmem:s3+$0x20]  }
0x2d4: {  	s16 =	simm.s32 $0x0;
	s22 =	simm.s32 $0x1EBC0;
	v5 =	vld [tilespmem:s15+$0xFFFFFFC0];
	[tilespmem:s15+$0xFFFFFFF0] =	vst v7;
	v7 =	vadd.f32 v11, v10  }
.LBB2_22:
0x2d5: {  	v8 =	vld [tilespmem:s22+$0x30];
	s3 =	sadd.s32 $0x80, s3  }
0x2d6: {  	s16 =	sadd.s32 $0x80, s16;
	v9 =	vld [tilespmem:s3+$0x30];
	[tilespmem:s15+$0x0] =	vst v7;
	v2 =	vadd.f32 v4, v2  }
0x2d7: {  	p1 =	slt.u32 s16, $0x380;
	v4 =	vld [tilespmem:s3+$0xFFFFFFC0]  }
0x2d8: {  	v7 =	vld [tilespmem:s22+$0xFFFFFFD0];
	[tilespmem:s15+$0x10] =	vst v2;
	v2 =	vadd.f32 v6, v3  }
0x2d9: {  	v3 =	vld [tilespmem:s3+$0xFFFFFFD0];
	v10 =	vadd.f32 v1, v5  }
0x2da: {  	v5 =	vld [tilespmem:s22+$0xFFFFFFE0];
	[tilespmem:s15+$0x20] =	vst v2  }
0x2db: {  	v2 =	vld [tilespmem:s3+$0xFFFFFFE0];
	v6 =	vadd.f32 v9, v8;
	[tilespmem:s15+$0xFFFFFFC0] =	vst v10;
	s15 =	smov.u32 s22  }
0x2dc: {  	v8 =	vld [tilespmem:s22+$0xFFFFFFF0];
	v1 =	vmov v4  }
0x2dd: {  	v9 =	vld [tilespmem:s3+$0xFFFFFFF0];
	[tilespmem:s22+$0x30] =	vst v6  }
0x2de: {  	v3 =	vadd.f32 v3, v7;
	v7 =	vld [tilespmem:s22+$0x0]  }
0x2df: {  	v10 =	vld [tilespmem:s3+$0x0]  }
.Ltmp10:
0x2e0: {  	[tilespmem:s22+$0xFFFFFFD0] =	vst v3;
	v3 =	vadd.f32 v2, v5;
	v2 =	vld [tilespmem:s22+$0x10];
	(pc) =	sbr.rel @p1 .LBB2_22-.Ltmp10, $4  }
0x2e1: {  	v4 =	vld [tilespmem:s3+$0x10]  }
0x2e2: {  	[tilespmem:s22+$0xFFFFFFE0] =	vst v3;
	v8 =	vadd.f32 v9, v8;
	v3 =	vld [tilespmem:s22+$0x20]  }
0x2e3: {  	v6 =	vld [tilespmem:s3+$0x20]  }
0x2e4: {  	s22 =	sadd.s32 $0x80, s22;
	v5 =	vld [tilespmem:s15+$0xFFFFFFC0];
	[tilespmem:s15+$0xFFFFFFF0] =	vst v8;
	v7 =	vadd.f32 v10, v7  }
0x2e5: {  	_ =	sdelay $0x1  }
0x2e6: {  	v2 =	vadd.f32 v4, v2  }
0x2e7: {  	[tilespmem:s15+$0x0] =	vst v7;
	v3 =	vadd.f32 v6, v3  }
0x2e8: {  	[tilespmem:s15+$0x10] =	vst v2;
	v1 =	vadd.f32 v1, v5  }
0x2e9: {  	[tilespmem:s15+$0x20] =	vst v3  }
0x2ea: {  	[tilespmem:s15+$0xFFFFFFC0] =	vst v1  }
0x2eb: {  	_ =	swait.ge [sflag:s13], $0x400  }
0x2ec: {  	[sflag:s13] =	ssyncset.done $0x0  }
0x2ed: {  	s15 =	simm.s32 $0x1EB40;
	[sflag:s13] =	ssyncadd.s32 $0xFFFFFC00  }
0x2ee: {  	[tilespmem:s19], [sflag:$0x1] =	stream.linear.gather [spmem:s28], $0x400, $0x38;
	[tilespmem:$0x1FF80] =	vst v63  }
0x2ef: {  	s3 =	simm.s32 $0x1F340;
	v2 =	vld [tilespmem:s15+$0x30]  }
0x2f0: {  	v3 =	vld [tilespmem:s3+$0x30]  }
0x2f1: {  	v1 =	vld [tilespmem:s3+$0xFFFFFFC0]  }
0x2f2: {  	v4 =	vld [tilespmem:s15+$0xFFFFFFD0]  }
0x2f3: {  	v5 =	vld [tilespmem:s3+$0xFFFFFFD0]  }
0x2f4: {  	v6 =	vld [tilespmem:s15+$0xFFFFFFE0]  }
0x2f5: {  	v7 =	vld [tilespmem:s3+$0xFFFFFFE0]  }
0x2f6: {  	v8 =	vld [tilespmem:s15+$0xFFFFFFF0]  }
0x2f7: {  	v9 =	vld [tilespmem:s3+$0xFFFFFFF0]  }
0x2f8: {  	v10 =	vld [tilespmem:s15+$0x0]  }
0x2f9: {  	v11 =	vld [tilespmem:s3+$0x0];
	v3 =	vadd.f32 v3, v2  }
0x2fa: {  	v5 =	vadd.f32 v5, v4;
	v2 =	vld [tilespmem:s15+$0x10]  }
0x2fb: {  	v6 =	vadd.f32 v7, v6;
	v4 =	vld [tilespmem:s3+$0x10];
	[tilespmem:s15+$0x30] =	vst v3  }
0x2fc: {  	v7 =	vadd.f32 v9, v8;
	[tilespmem:s15+$0xFFFFFFD0] =	vst v5;
	v3 =	vld [tilespmem:s15+$0x20]  }
0x2fd: {  	[tilespmem:s15+$0xFFFFFFE0] =	vst v6;
	v6 =	vld [tilespmem:s3+$0x20]  }
0x2fe: {  	s16 =	simm.s32 $0x0;
	s22 =	simm.s32 $0x1EBC0;
	v5 =	vld [tilespmem:s15+$0xFFFFFFC0];
	[tilespmem:s15+$0xFFFFFFF0] =	vst v7;
	v7 =	vadd.f32 v11, v10  }
.LBB2_24:
0x2ff: {  	v8 =	vld [tilespmem:s22+$0x30];
	s3 =	sadd.s32 $0x80, s3  }
0x300: {  	s16 =	sadd.s32 $0x80, s16;
	v9 =	vld [tilespmem:s3+$0x30];
	[tilespmem:s15+$0x0] =	vst v7;
	v2 =	vadd.f32 v4, v2  }
0x301: {  	p1 =	slt.u32 s16, $0x380;
	v4 =	vld [tilespmem:s3+$0xFFFFFFC0]  }
0x302: {  	v7 =	vld [tilespmem:s22+$0xFFFFFFD0];
	[tilespmem:s15+$0x10] =	vst v2;
	v2 =	vadd.f32 v6, v3  }
0x303: {  	v3 =	vld [tilespmem:s3+$0xFFFFFFD0];
	v10 =	vadd.f32 v1, v5  }
0x304: {  	v5 =	vld [tilespmem:s22+$0xFFFFFFE0];
	[tilespmem:s15+$0x20] =	vst v2  }
0x305: {  	v2 =	vld [tilespmem:s3+$0xFFFFFFE0];
	v6 =	vadd.f32 v9, v8;
	[tilespmem:s15+$0xFFFFFFC0] =	vst v10;
	s15 =	smov.u32 s22  }
0x306: {  	v8 =	vld [tilespmem:s22+$0xFFFFFFF0];
	v1 =	vmov v4  }
0x307: {  	v9 =	vld [tilespmem:s3+$0xFFFFFFF0];
	[tilespmem:s22+$0x30] =	vst v6  }
0x308: {  	v3 =	vadd.f32 v3, v7;
	v7 =	vld [tilespmem:s22+$0x0]  }
0x309: {  	v10 =	vld [tilespmem:s3+$0x0]  }
.Ltmp11:
0x30a: {  	[tilespmem:s22+$0xFFFFFFD0] =	vst v3;
	v3 =	vadd.f32 v2, v5;
	v2 =	vld [tilespmem:s22+$0x10];
	(pc) =	sbr.rel @p1 .LBB2_24-.Ltmp11, $4  }
0x30b: {  	v4 =	vld [tilespmem:s3+$0x10]  }
0x30c: {  	[tilespmem:s22+$0xFFFFFFE0] =	vst v3;
	v8 =	vadd.f32 v9, v8;
	v3 =	vld [tilespmem:s22+$0x20]  }
0x30d: {  	v6 =	vld [tilespmem:s3+$0x20]  }
0x30e: {  	s22 =	sadd.s32 $0x80, s22;
	v5 =	vld [tilespmem:s15+$0xFFFFFFC0];
	[tilespmem:s15+$0xFFFFFFF0] =	vst v8;
	v7 =	vadd.f32 v10, v7  }
0x30f: {  	_ =	sdelay $0x1  }
0x310: {  	v2 =	vadd.f32 v4, v2  }
0x311: {  	[tilespmem:s15+$0x0] =	vst v7;
	v3 =	vadd.f32 v6, v3  }
0x312: {  	[tilespmem:s15+$0x10] =	vst v2;
	v1 =	vadd.f32 v1, v5  }
0x313: {  	[tilespmem:s15+$0x20] =	vst v3  }
0x314: {  	[tilespmem:s15+$0xFFFFFFC0] =	vst v1  }
0x315: {  	_ =	swait.ge [sflag:s13], $0x400  }
0x316: {  	[sflag:s13] =	ssyncset.done $0x0  }
0x317: {  	s15 =	simm.s32 $0x1EB40;
	[sflag:s13] =	ssyncadd.s32 $0xFFFFFC00  }
0x318: {  	[tilespmem:s21], [sflag:$0x1] =	stream.linear.gather [spmem:s29], $0x400, $0x38;
	[tilespmem:$0x1FF80] =	vst v63  }
0x319: {  	s3 =	simm.s32 $0x1F740;
	v2 =	vld [tilespmem:s15+$0x30]  }
0x31a: {  	v3 =	vld [tilespmem:s3+$0x30]  }
0x31b: {  	v1 =	vld [tilespmem:s3+$0xFFFFFFC0]  }
0x31c: {  	v4 =	vld [tilespmem:s15+$0xFFFFFFD0]  }
0x31d: {  	v5 =	vld [tilespmem:s3+$0xFFFFFFD0]  }
0x31e: {  	v6 =	vld [tilespmem:s15+$0xFFFFFFE0]  }
0x31f: {  	v7 =	vld [tilespmem:s3+$0xFFFFFFE0]  }
0x320: {  	v8 =	vld [tilespmem:s15+$0xFFFFFFF0]  }
0x321: {  	v9 =	vld [tilespmem:s3+$0xFFFFFFF0]  }
0x322: {  	v10 =	vld [tilespmem:s15+$0x0]  }
0x323: {  	v11 =	vld [tilespmem:s3+$0x0];
	v3 =	vadd.f32 v3, v2  }
0x324: {  	v5 =	vadd.f32 v5, v4;
	v2 =	vld [tilespmem:s15+$0x10]  }
0x325: {  	v6 =	vadd.f32 v7, v6;
	v4 =	vld [tilespmem:s3+$0x10];
	[tilespmem:s15+$0x30] =	vst v3  }
0x326: {  	v7 =	vadd.f32 v9, v8;
	[tilespmem:s15+$0xFFFFFFD0] =	vst v5;
	v3 =	vld [tilespmem:s15+$0x20]  }
0x327: {  	[tilespmem:s15+$0xFFFFFFE0] =	vst v6;
	v6 =	vld [tilespmem:s3+$0x20]  }
0x328: {  	s16 =	simm.s32 $0x0;
	s22 =	simm.s32 $0x1EBC0;
	v5 =	vld [tilespmem:s15+$0xFFFFFFC0];
	[tilespmem:s15+$0xFFFFFFF0] =	vst v7;
	v7 =	vadd.f32 v11, v10  }
.LBB2_26:
0x329: {  	v8 =	vld [tilespmem:s22+$0x30];
	s3 =	sadd.s32 $0x80, s3  }
0x32a: {  	s16 =	sadd.s32 $0x80, s16;
	v9 =	vld [tilespmem:s3+$0x30];
	[tilespmem:s15+$0x0] =	vst v7;
	v2 =	vadd.f32 v4, v2  }
0x32b: {  	p1 =	slt.u32 s16, $0x380;
	v4 =	vld [tilespmem:s3+$0xFFFFFFC0]  }
0x32c: {  	v7 =	vld [tilespmem:s22+$0xFFFFFFD0];
	[tilespmem:s15+$0x10] =	vst v2;
	v2 =	vadd.f32 v6, v3  }
0x32d: {  	v3 =	vld [tilespmem:s3+$0xFFFFFFD0];
	v10 =	vadd.f32 v1, v5  }
0x32e: {  	v5 =	vld [tilespmem:s22+$0xFFFFFFE0];
	[tilespmem:s15+$0x20] =	vst v2  }
0x32f: {  	v2 =	vld [tilespmem:s3+$0xFFFFFFE0];
	v6 =	vadd.f32 v9, v8;
	[tilespmem:s15+$0xFFFFFFC0] =	vst v10;
	s15 =	smov.u32 s22  }
0x330: {  	v8 =	vld [tilespmem:s22+$0xFFFFFFF0];
	v1 =	vmov v4  }
0x331: {  	v9 =	vld [tilespmem:s3+$0xFFFFFFF0];
	[tilespmem:s22+$0x30] =	vst v6  }
0x332: {  	v3 =	vadd.f32 v3, v7;
	v7 =	vld [tilespmem:s22+$0x0]  }
0x333: {  	v10 =	vld [tilespmem:s3+$0x0]  }
.Ltmp12:
0x334: {  	[tilespmem:s22+$0xFFFFFFD0] =	vst v3;
	v3 =	vadd.f32 v2, v5;
	v2 =	vld [tilespmem:s22+$0x10];
	(pc) =	sbr.rel @p1 .LBB2_26-.Ltmp12, $4  }
0x335: {  	v4 =	vld [tilespmem:s3+$0x10]  }
0x336: {  	[tilespmem:s22+$0xFFFFFFE0] =	vst v3;
	v8 =	vadd.f32 v9, v8;
	v3 =	vld [tilespmem:s22+$0x20]  }
0x337: {  	v6 =	vld [tilespmem:s3+$0x20]  }
0x338: {  	s22 =	sadd.s32 $0x80, s22;
	v5 =	vld [tilespmem:s15+$0xFFFFFFC0];
	[tilespmem:s15+$0xFFFFFFF0] =	vst v8;
	v7 =	vadd.f32 v10, v7  }
0x339: {  	_ =	sdelay $0x1  }
0x33a: {  	v2 =	vadd.f32 v4, v2  }
0x33b: {  	[tilespmem:s15+$0x0] =	vst v7;
	v3 =	vadd.f32 v6, v3  }
0x33c: {  	[tilespmem:s15+$0x10] =	vst v2;
	v1 =	vadd.f32 v1, v5  }
0x33d: {  	[tilespmem:s15+$0x20] =	vst v3  }
0x33e: {  	[tilespmem:s15+$0xFFFFFFC0] =	vst v1  }
0x33f: {  	_ =	swait.ge [sflag:s13], $0x400  }
0x340: {  	[sflag:s13] =	ssyncset.done $0x0  }
0x341: {  	s15 =	simm.s32 $0x1EB40;
	[sflag:s13] =	ssyncadd.s32 $0xFFFFFC00  }
0x342: {  	[tilespmem:s4], [sflag:$0x1] =	stream.linear.gather [spmem:s30], $0x400, $0x38;
	[tilespmem:$0x1FF80] =	vst v63  }
0x343: {  	s3 =	simm.s32 $0x1FB40;
	v2 =	vld [tilespmem:s15+$0x30]  }
0x344: {  	v3 =	vld [tilespmem:s3+$0x30]  }
0x345: {  	v1 =	vld [tilespmem:s3+$0xFFFFFFC0]  }
0x346: {  	v4 =	vld [tilespmem:s15+$0xFFFFFFD0]  }
0x347: {  	v5 =	vld [tilespmem:s3+$0xFFFFFFD0]  }
0x348: {  	v6 =	vld [tilespmem:s15+$0xFFFFFFE0]  }
0x349: {  	v7 =	vld [tilespmem:s3+$0xFFFFFFE0]  }
0x34a: {  	v8 =	vld [tilespmem:s15+$0xFFFFFFF0]  }
0x34b: {  	v9 =	vld [tilespmem:s3+$0xFFFFFFF0]  }
0x34c: {  	v10 =	vld [tilespmem:s15+$0x0]  }
0x34d: {  	v11 =	vld [tilespmem:s3+$0x0];
	v3 =	vadd.f32 v3, v2  }
0x34e: {  	v5 =	vadd.f32 v5, v4;
	v2 =	vld [tilespmem:s15+$0x10]  }
0x34f: {  	v6 =	vadd.f32 v7, v6;
	v4 =	vld [tilespmem:s3+$0x10];
	[tilespmem:s15+$0x30] =	vst v3  }
0x350: {  	v7 =	vadd.f32 v9, v8;
	[tilespmem:s15+$0xFFFFFFD0] =	vst v5;
	v3 =	vld [tilespmem:s15+$0x20]  }
0x351: {  	[tilespmem:s15+$0xFFFFFFE0] =	vst v6;
	v6 =	vld [tilespmem:s3+$0x20]  }
0x352: {  	s16 =	simm.s32 $0x0;
	s22 =	simm.s32 $0x1EBC0;
	v5 =	vld [tilespmem:s15+$0xFFFFFFC0];
	[tilespmem:s15+$0xFFFFFFF0] =	vst v7;
	v7 =	vadd.f32 v11, v10  }
.LBB2_28:
0x353: {  	v8 =	vld [tilespmem:s22+$0x30];
	s3 =	sadd.s32 $0x80, s3  }
0x354: {  	s16 =	sadd.s32 $0x80, s16;
	v9 =	vld [tilespmem:s3+$0x30];
	[tilespmem:s15+$0x0] =	vst v7;
	v2 =	vadd.f32 v4, v2  }
0x355: {  	p1 =	slt.u32 s16, $0x380;
	v4 =	vld [tilespmem:s3+$0xFFFFFFC0]  }
0x356: {  	v7 =	vld [tilespmem:s22+$0xFFFFFFD0];
	[tilespmem:s15+$0x10] =	vst v2;
	v2 =	vadd.f32 v6, v3  }
0x357: {  	v3 =	vld [tilespmem:s3+$0xFFFFFFD0];
	v10 =	vadd.f32 v1, v5  }
0x358: {  	v5 =	vld [tilespmem:s22+$0xFFFFFFE0];
	[tilespmem:s15+$0x20] =	vst v2  }
0x359: {  	v2 =	vld [tilespmem:s3+$0xFFFFFFE0];
	v6 =	vadd.f32 v9, v8;
	[tilespmem:s15+$0xFFFFFFC0] =	vst v10;
	s15 =	smov.u32 s22  }
0x35a: {  	v8 =	vld [tilespmem:s22+$0xFFFFFFF0];
	v1 =	vmov v4  }
0x35b: {  	v9 =	vld [tilespmem:s3+$0xFFFFFFF0];
	[tilespmem:s22+$0x30] =	vst v6  }
0x35c: {  	v3 =	vadd.f32 v3, v7;
	v7 =	vld [tilespmem:s22+$0x0]  }
0x35d: {  	v10 =	vld [tilespmem:s3+$0x0]  }
.Ltmp13:
0x35e: {  	[tilespmem:s22+$0xFFFFFFD0] =	vst v3;
	v3 =	vadd.f32 v2, v5;
	v2 =	vld [tilespmem:s22+$0x10];
	(pc) =	sbr.rel @p1 .LBB2_28-.Ltmp13, $4  }
0x35f: {  	v4 =	vld [tilespmem:s3+$0x10]  }
0x360: {  	[tilespmem:s22+$0xFFFFFFE0] =	vst v3;
	v8 =	vadd.f32 v9, v8;
	v3 =	vld [tilespmem:s22+$0x20]  }
0x361: {  	v6 =	vld [tilespmem:s3+$0x20]  }
0x362: {  	s22 =	sadd.s32 $0x80, s22;
	v5 =	vld [tilespmem:s15+$0xFFFFFFC0];
	[tilespmem:s15+$0xFFFFFFF0] =	vst v8;
	v7 =	vadd.f32 v10, v7  }
0x363: {  	_ =	sdelay $0x1  }
0x364: {  	v2 =	vadd.f32 v4, v2  }
0x365: {  	[tilespmem:s15+$0x0] =	vst v7;
	v3 =	vadd.f32 v6, v3  }
0x366: {  	[tilespmem:s15+$0x10] =	vst v2;
	v1 =	vadd.f32 v1, v5  }
0x367: {  	[tilespmem:s15+$0x20] =	vst v3  }
0x368: {  	[tilespmem:s15+$0xFFFFFFC0] =	vst v1  }
0x369: {  	_ =	swait.ge [sflag:s13], $0x400  }
0x36a: {  	[sflag:s13] =	ssyncset.done $0x0  }
0x36b: {  	s15 =	simm.s32 $0x1EB40;
	[sflag:s13] =	ssyncadd.s32 $0xFFFFFC00  }
0x36c: {  	[tilespmem:s7], [sflag:$0x1] =	stream.linear.gather [spmem:s31], $0x400, $0x38;
	[tilespmem:$0x1FF80] =	vst v63  }
0x36d: {  	s3 =	simm.s32 $0x1EF40;
	v2 =	vld [tilespmem:s15+$0x30]  }
0x36e: {  	v3 =	vld [tilespmem:s3+$0x30]  }
0x36f: {  	v1 =	vld [tilespmem:s3+$0xFFFFFFC0]  }
0x370: {  	v4 =	vld [tilespmem:s15+$0xFFFFFFD0]  }
0x371: {  	v5 =	vld [tilespmem:s3+$0xFFFFFFD0]  }
0x372: {  	v6 =	vld [tilespmem:s15+$0xFFFFFFE0]  }
0x373: {  	v7 =	vld [tilespmem:s3+$0xFFFFFFE0]  }
0x374: {  	v8 =	vld [tilespmem:s15+$0xFFFFFFF0]  }
0x375: {  	v9 =	vld [tilespmem:s3+$0xFFFFFFF0]  }
0x376: {  	v10 =	vld [tilespmem:s15+$0x0]  }
0x377: {  	v11 =	vld [tilespmem:s3+$0x0];
	v3 =	vadd.f32 v3, v2  }
0x378: {  	v5 =	vadd.f32 v5, v4;
	v2 =	vld [tilespmem:s15+$0x10]  }
0x379: {  	v6 =	vadd.f32 v7, v6;
	v4 =	vld [tilespmem:s3+$0x10];
	[tilespmem:s15+$0x30] =	vst v3  }
0x37a: {  	v7 =	vadd.f32 v9, v8;
	[tilespmem:s15+$0xFFFFFFD0] =	vst v5;
	v3 =	vld [tilespmem:s15+$0x20]  }
0x37b: {  	[tilespmem:s15+$0xFFFFFFE0] =	vst v6;
	v6 =	vld [tilespmem:s3+$0x20]  }
0x37c: {  	s16 =	simm.s32 $0x0;
	s22 =	simm.s32 $0x1EBC0;
	v5 =	vld [tilespmem:s15+$0xFFFFFFC0];
	[tilespmem:s15+$0xFFFFFFF0] =	vst v7;
	v7 =	vadd.f32 v11, v10  }
.LBB2_30:
0x37d: {  	v8 =	vld [tilespmem:s22+$0x30];
	s3 =	sadd.s32 $0x80, s3  }
0x37e: {  	s16 =	sadd.s32 $0x80, s16;
	v9 =	vld [tilespmem:s3+$0x30];
	[tilespmem:s15+$0x0] =	vst v7;
	v2 =	vadd.f32 v4, v2  }
0x37f: {  	p1 =	slt.u32 s16, $0x380;
	v4 =	vld [tilespmem:s3+$0xFFFFFFC0]  }
0x380: {  	v7 =	vld [tilespmem:s22+$0xFFFFFFD0];
	[tilespmem:s15+$0x10] =	vst v2;
	v2 =	vadd.f32 v6, v3  }
0x381: {  	v3 =	vld [tilespmem:s3+$0xFFFFFFD0];
	v10 =	vadd.f32 v1, v5  }
0x382: {  	v5 =	vld [tilespmem:s22+$0xFFFFFFE0];
	[tilespmem:s15+$0x20] =	vst v2  }
0x383: {  	v2 =	vld [tilespmem:s3+$0xFFFFFFE0];
	v6 =	vadd.f32 v9, v8;
	[tilespmem:s15+$0xFFFFFFC0] =	vst v10;
	s15 =	smov.u32 s22  }
0x384: {  	v8 =	vld [tilespmem:s22+$0xFFFFFFF0];
	v1 =	vmov v4  }
0x385: {  	v9 =	vld [tilespmem:s3+$0xFFFFFFF0];
	[tilespmem:s22+$0x30] =	vst v6  }
0x386: {  	v3 =	vadd.f32 v3, v7;
	v7 =	vld [tilespmem:s22+$0x0]  }
0x387: {  	v10 =	vld [tilespmem:s3+$0x0]  }
.Ltmp14:
0x388: {  	[tilespmem:s22+$0xFFFFFFD0] =	vst v3;
	v3 =	vadd.f32 v2, v5;
	v2 =	vld [tilespmem:s22+$0x10];
	(pc) =	sbr.rel @p1 .LBB2_30-.Ltmp14, $4  }
0x389: {  	v4 =	vld [tilespmem:s3+$0x10]  }
0x38a: {  	[tilespmem:s22+$0xFFFFFFE0] =	vst v3;
	v8 =	vadd.f32 v9, v8;
	v3 =	vld [tilespmem:s22+$0x20]  }
0x38b: {  	v6 =	vld [tilespmem:s3+$0x20]  }
0x38c: {  	s22 =	sadd.s32 $0x80, s22;
	v5 =	vld [tilespmem:s15+$0xFFFFFFC0];
	[tilespmem:s15+$0xFFFFFFF0] =	vst v8;
	v7 =	vadd.f32 v10, v7  }
0x38d: {  	_ =	sdelay $0x1  }
0x38e: {  	v2 =	vadd.f32 v4, v2  }
0x38f: {  	[tilespmem:s15+$0x0] =	vst v7;
	v3 =	vadd.f32 v6, v3  }
0x390: {  	[tilespmem:s15+$0x10] =	vst v2;
	v1 =	vadd.f32 v1, v5  }
0x391: {  	[tilespmem:s15+$0x20] =	vst v3  }
0x392: {  	[tilespmem:s15+$0xFFFFFFC0] =	vst v1  }
0x393: {  	_ =	swait.ge [sflag:s13], $0x400  }
0x394: {  	[sflag:s13] =	ssyncset.done $0x0  }
0x395: {  	s15 =	simm.s32 $0x1EB40;
	[sflag:s13] =	ssyncadd.s32 $0xFFFFFC00  }
0x396: {  	[tilespmem:s19], [sflag:$0x1] =	stream.linear.gather [spmem:s0], $0x400, $0x38;
	[tilespmem:$0x1FF80] =	vst v63  }
0x397: {  	s3 =	simm.s32 $0x1F340;
	v2 =	vld [tilespmem:s15+$0x30]  }
0x398: {  	v3 =	vld [tilespmem:s3+$0x30]  }
0x399: {  	v1 =	vld [tilespmem:s3+$0xFFFFFFC0]  }
0x39a: {  	v4 =	vld [tilespmem:s15+$0xFFFFFFD0]  }
0x39b: {  	v5 =	vld [tilespmem:s3+$0xFFFFFFD0]  }
0x39c: {  	v6 =	vld [tilespmem:s15+$0xFFFFFFE0]  }
0x39d: {  	v7 =	vld [tilespmem:s3+$0xFFFFFFE0]  }
0x39e: {  	v8 =	vld [tilespmem:s15+$0xFFFFFFF0]  }
0x39f: {  	v9 =	vld [tilespmem:s3+$0xFFFFFFF0]  }
0x3a0: {  	v10 =	vld [tilespmem:s15+$0x0]  }
0x3a1: {  	v11 =	vld [tilespmem:s3+$0x0];
	v3 =	vadd.f32 v3, v2  }
0x3a2: {  	v5 =	vadd.f32 v5, v4;
	v2 =	vld [tilespmem:s15+$0x10]  }
0x3a3: {  	v6 =	vadd.f32 v7, v6;
	v4 =	vld [tilespmem:s3+$0x10];
	[tilespmem:s15+$0x30] =	vst v3  }
0x3a4: {  	v7 =	vadd.f32 v9, v8;
	[tilespmem:s15+$0xFFFFFFD0] =	vst v5;
	v3 =	vld [tilespmem:s15+$0x20]  }
0x3a5: {  	[tilespmem:s15+$0xFFFFFFE0] =	vst v6;
	v6 =	vld [tilespmem:s3+$0x20]  }
0x3a6: {  	s16 =	simm.s32 $0x0;
	s22 =	simm.s32 $0x1EBC0;
	v5 =	vld [tilespmem:s15+$0xFFFFFFC0];
	[tilespmem:s15+$0xFFFFFFF0] =	vst v7;
	v7 =	vadd.f32 v11, v10  }
.LBB2_32:
0x3a7: {  	v8 =	vld [tilespmem:s22+$0x30];
	s3 =	sadd.s32 $0x80, s3  }
0x3a8: {  	s16 =	sadd.s32 $0x80, s16;
	v9 =	vld [tilespmem:s3+$0x30];
	[tilespmem:s15+$0x0] =	vst v7;
	v2 =	vadd.f32 v4, v2  }
0x3a9: {  	p1 =	slt.u32 s16, $0x380;
	v4 =	vld [tilespmem:s3+$0xFFFFFFC0]  }
0x3aa: {  	v7 =	vld [tilespmem:s22+$0xFFFFFFD0];
	[tilespmem:s15+$0x10] =	vst v2;
	v2 =	vadd.f32 v6, v3  }
0x3ab: {  	v3 =	vld [tilespmem:s3+$0xFFFFFFD0];
	v10 =	vadd.f32 v1, v5  }
0x3ac: {  	v5 =	vld [tilespmem:s22+$0xFFFFFFE0];
	[tilespmem:s15+$0x20] =	vst v2  }
0x3ad: {  	v2 =	vld [tilespmem:s3+$0xFFFFFFE0];
	v6 =	vadd.f32 v9, v8;
	[tilespmem:s15+$0xFFFFFFC0] =	vst v10;
	s15 =	smov.u32 s22  }
0x3ae: {  	v8 =	vld [tilespmem:s22+$0xFFFFFFF0];
	v1 =	vmov v4  }
0x3af: {  	v9 =	vld [tilespmem:s3+$0xFFFFFFF0];
	[tilespmem:s22+$0x30] =	vst v6  }
0x3b0: {  	v3 =	vadd.f32 v3, v7;
	v7 =	vld [tilespmem:s22+$0x0]  }
0x3b1: {  	v10 =	vld [tilespmem:s3+$0x0]  }
.Ltmp15:
0x3b2: {  	[tilespmem:s22+$0xFFFFFFD0] =	vst v3;
	v3 =	vadd.f32 v2, v5;
	v2 =	vld [tilespmem:s22+$0x10];
	(pc) =	sbr.rel @p1 .LBB2_32-.Ltmp15, $4  }
0x3b3: {  	v4 =	vld [tilespmem:s3+$0x10]  }
0x3b4: {  	[tilespmem:s22+$0xFFFFFFE0] =	vst v3;
	v8 =	vadd.f32 v9, v8;
	v3 =	vld [tilespmem:s22+$0x20]  }
0x3b5: {  	v6 =	vld [tilespmem:s3+$0x20]  }
0x3b6: {  	s22 =	sadd.s32 $0x80, s22;
	v5 =	vld [tilespmem:s15+$0xFFFFFFC0];
	[tilespmem:s15+$0xFFFFFFF0] =	vst v8;
	v7 =	vadd.f32 v10, v7  }
0x3b7: {  	_ =	sdelay $0x1  }
0x3b8: {  	v2 =	vadd.f32 v4, v2  }
0x3b9: {  	[tilespmem:s15+$0x0] =	vst v7;
	v3 =	vadd.f32 v6, v3  }
0x3ba: {  	[tilespmem:s15+$0x10] =	vst v2;
	v1 =	vadd.f32 v1, v5  }
0x3bb: {  	[tilespmem:s15+$0x20] =	vst v3  }
0x3bc: {  	[tilespmem:s15+$0xFFFFFFC0] =	vst v1  }
0x3bd: {  	_ =	swait.ge [sflag:s13], $0x400  }
0x3be: {  	[sflag:s13] =	ssyncset.done $0x0  }
0x3bf: {  	s15 =	simm.s32 $0x1EB40;
	[sflag:s13] =	ssyncadd.s32 $0xFFFFFC00  }
0x3c0: {  	[tilespmem:s21], [sflag:$0x1] =	stream.linear.gather [spmem:s2], $0x400, $0x38;
	[tilespmem:$0x1FF80] =	vst v63  }
0x3c1: {  	s3 =	simm.s32 $0x1F740;
	v2 =	vld [tilespmem:s15+$0x30]  }
0x3c2: {  	v3 =	vld [tilespmem:s3+$0x30]  }
0x3c3: {  	v1 =	vld [tilespmem:s3+$0xFFFFFFC0]  }
0x3c4: {  	v4 =	vld [tilespmem:s15+$0xFFFFFFD0]  }
0x3c5: {  	v5 =	vld [tilespmem:s3+$0xFFFFFFD0]  }
0x3c6: {  	v6 =	vld [tilespmem:s15+$0xFFFFFFE0]  }
0x3c7: {  	v7 =	vld [tilespmem:s3+$0xFFFFFFE0]  }
0x3c8: {  	v8 =	vld [tilespmem:s15+$0xFFFFFFF0]  }
0x3c9: {  	v9 =	vld [tilespmem:s3+$0xFFFFFFF0]  }
0x3ca: {  	v10 =	vld [tilespmem:s15+$0x0]  }
0x3cb: {  	v11 =	vld [tilespmem:s3+$0x0];
	v3 =	vadd.f32 v3, v2  }
0x3cc: {  	v5 =	vadd.f32 v5, v4;
	v2 =	vld [tilespmem:s15+$0x10]  }
0x3cd: {  	v6 =	vadd.f32 v7, v6;
	v4 =	vld [tilespmem:s3+$0x10];
	[tilespmem:s15+$0x30] =	vst v3  }
0x3ce: {  	v7 =	vadd.f32 v9, v8;
	[tilespmem:s15+$0xFFFFFFD0] =	vst v5;
	v3 =	vld [tilespmem:s15+$0x20]  }
0x3cf: {  	[tilespmem:s15+$0xFFFFFFE0] =	vst v6;
	v6 =	vld [tilespmem:s3+$0x20]  }
0x3d0: {  	s16 =	simm.s32 $0x0;
	s22 =	simm.s32 $0x1EBC0;
	v5 =	vld [tilespmem:s15+$0xFFFFFFC0];
	[tilespmem:s15+$0xFFFFFFF0] =	vst v7;
	v7 =	vadd.f32 v11, v10  }
.LBB2_34:
0x3d1: {  	v8 =	vld [tilespmem:s22+$0x30];
	s3 =	sadd.s32 $0x80, s3  }
0x3d2: {  	s16 =	sadd.s32 $0x80, s16;
	v9 =	vld [tilespmem:s3+$0x30];
	[tilespmem:s15+$0x0] =	vst v7;
	v2 =	vadd.f32 v4, v2  }
0x3d3: {  	p1 =	slt.u32 s16, $0x380;
	v4 =	vld [tilespmem:s3+$0xFFFFFFC0]  }
0x3d4: {  	v7 =	vld [tilespmem:s22+$0xFFFFFFD0];
	[tilespmem:s15+$0x10] =	vst v2;
	v2 =	vadd.f32 v6, v3  }
0x3d5: {  	v3 =	vld [tilespmem:s3+$0xFFFFFFD0];
	v10 =	vadd.f32 v1, v5  }
0x3d6: {  	v5 =	vld [tilespmem:s22+$0xFFFFFFE0];
	[tilespmem:s15+$0x20] =	vst v2  }
0x3d7: {  	v2 =	vld [tilespmem:s3+$0xFFFFFFE0];
	v6 =	vadd.f32 v9, v8;
	[tilespmem:s15+$0xFFFFFFC0] =	vst v10;
	s15 =	smov.u32 s22  }
0x3d8: {  	v8 =	vld [tilespmem:s22+$0xFFFFFFF0];
	v1 =	vmov v4  }
0x3d9: {  	v9 =	vld [tilespmem:s3+$0xFFFFFFF0];
	[tilespmem:s22+$0x30] =	vst v6  }
0x3da: {  	v3 =	vadd.f32 v3, v7;
	v7 =	vld [tilespmem:s22+$0x0]  }
0x3db: {  	v10 =	vld [tilespmem:s3+$0x0]  }
.Ltmp16:
0x3dc: {  	[tilespmem:s22+$0xFFFFFFD0] =	vst v3;
	v3 =	vadd.f32 v2, v5;
	v2 =	vld [tilespmem:s22+$0x10];
	(pc) =	sbr.rel @p1 .LBB2_34-.Ltmp16, $4  }
0x3dd: {  	v4 =	vld [tilespmem:s3+$0x10]  }
0x3de: {  	[tilespmem:s22+$0xFFFFFFE0] =	vst v3;
	v8 =	vadd.f32 v9, v8;
	v3 =	vld [tilespmem:s22+$0x20]  }
0x3df: {  	v6 =	vld [tilespmem:s3+$0x20]  }
0x3e0: {  	s22 =	sadd.s32 $0x80, s22;
	v5 =	vld [tilespmem:s15+$0xFFFFFFC0];
	[tilespmem:s15+$0xFFFFFFF0] =	vst v8;
	v7 =	vadd.f32 v10, v7  }
0x3e1: {  	_ =	sdelay $0x1  }
0x3e2: {  	v2 =	vadd.f32 v4, v2  }
0x3e3: {  	[tilespmem:s15+$0x0] =	vst v7;
	v3 =	vadd.f32 v6, v3  }
0x3e4: {  	[tilespmem:s15+$0x10] =	vst v2;
	v1 =	vadd.f32 v1, v5  }
0x3e5: {  	[tilespmem:s15+$0x20] =	vst v3  }
0x3e6: {  	[tilespmem:s15+$0xFFFFFFC0] =	vst v1  }
0x3e7: {  	_ =	swait.ge [sflag:s13], $0x400  }
0x3e8: {  	[sflag:s13] =	ssyncset.done $0x0  }
0x3e9: {  	s15 =	simm.s32 $0x1EB40;
	[sflag:s13] =	ssyncadd.s32 $0xFFFFFC00  }
0x3ea: {  	[tilespmem:s4], [sflag:$0x1] =	stream.linear.gather [spmem:s5], $0x400, $0x38;
	[tilespmem:$0x1FF80] =	vst v63  }
0x3eb: {  	s3 =	simm.s32 $0x1FB40;
	v2 =	vld [tilespmem:s15+$0x30]  }
0x3ec: {  	v3 =	vld [tilespmem:s3+$0x30]  }
0x3ed: {  	v1 =	vld [tilespmem:s3+$0xFFFFFFC0]  }
0x3ee: {  	v4 =	vld [tilespmem:s15+$0xFFFFFFD0]  }
0x3ef: {  	v5 =	vld [tilespmem:s3+$0xFFFFFFD0]  }
0x3f0: {  	v6 =	vld [tilespmem:s15+$0xFFFFFFE0]  }
0x3f1: {  	v7 =	vld [tilespmem:s3+$0xFFFFFFE0]  }
0x3f2: {  	v8 =	vld [tilespmem:s15+$0xFFFFFFF0]  }
0x3f3: {  	v9 =	vld [tilespmem:s3+$0xFFFFFFF0]  }
0x3f4: {  	v10 =	vld [tilespmem:s15+$0x0]  }
0x3f5: {  	v11 =	vld [tilespmem:s3+$0x0];
	v3 =	vadd.f32 v3, v2  }
0x3f6: {  	v5 =	vadd.f32 v5, v4;
	v2 =	vld [tilespmem:s15+$0x10]  }
0x3f7: {  	v6 =	vadd.f32 v7, v6;
	v4 =	vld [tilespmem:s3+$0x10];
	[tilespmem:s15+$0x30] =	vst v3  }
0x3f8: {  	v7 =	vadd.f32 v9, v8;
	[tilespmem:s15+$0xFFFFFFD0] =	vst v5;
	v3 =	vld [tilespmem:s15+$0x20]  }
0x3f9: {  	[tilespmem:s15+$0xFFFFFFE0] =	vst v6;
	v6 =	vld [tilespmem:s3+$0x20]  }
0x3fa: {  	s16 =	simm.s32 $0x0;
	s22 =	simm.s32 $0x1EBC0;
	v5 =	vld [tilespmem:s15+$0xFFFFFFC0];
	[tilespmem:s15+$0xFFFFFFF0] =	vst v7;
	v7 =	vadd.f32 v11, v10  }
.LBB2_36:
0x3fb: {  	v8 =	vld [tilespmem:s22+$0x30];
	s3 =	sadd.s32 $0x80, s3  }
0x3fc: {  	s16 =	sadd.s32 $0x80, s16;
	v9 =	vld [tilespmem:s3+$0x30];
	[tilespmem:s15+$0x0] =	vst v7;
	v2 =	vadd.f32 v4, v2  }
0x3fd: {  	p1 =	slt.u32 s16, $0x380;
	v4 =	vld [tilespmem:s3+$0xFFFFFFC0]  }
0x3fe: {  	v7 =	vld [tilespmem:s22+$0xFFFFFFD0];
	[tilespmem:s15+$0x10] =	vst v2;
	v2 =	vadd.f32 v6, v3  }
0x3ff: {  	v3 =	vld [tilespmem:s3+$0xFFFFFFD0];
	v10 =	vadd.f32 v1, v5  }
0x400: {  	v5 =	vld [tilespmem:s22+$0xFFFFFFE0];
	[tilespmem:s15+$0x20] =	vst v2  }
0x401: {  	v2 =	vld [tilespmem:s3+$0xFFFFFFE0];
	v6 =	vadd.f32 v9, v8;
	[tilespmem:s15+$0xFFFFFFC0] =	vst v10;
	s15 =	smov.u32 s22  }
0x402: {  	v8 =	vld [tilespmem:s22+$0xFFFFFFF0];
	v1 =	vmov v4  }
0x403: {  	v9 =	vld [tilespmem:s3+$0xFFFFFFF0];
	[tilespmem:s22+$0x30] =	vst v6  }
0x404: {  	v3 =	vadd.f32 v3, v7;
	v7 =	vld [tilespmem:s22+$0x0]  }
0x405: {  	v10 =	vld [tilespmem:s3+$0x0]  }
.Ltmp17:
0x406: {  	[tilespmem:s22+$0xFFFFFFD0] =	vst v3;
	v3 =	vadd.f32 v2, v5;
	v2 =	vld [tilespmem:s22+$0x10];
	(pc) =	sbr.rel @p1 .LBB2_36-.Ltmp17, $4  }
0x407: {  	v4 =	vld [tilespmem:s3+$0x10]  }
0x408: {  	[tilespmem:s22+$0xFFFFFFE0] =	vst v3;
	v8 =	vadd.f32 v9, v8;
	v3 =	vld [tilespmem:s22+$0x20]  }
0x409: {  	v6 =	vld [tilespmem:s3+$0x20]  }
0x40a: {  	s22 =	sadd.s32 $0x80, s22;
	v5 =	vld [tilespmem:s15+$0xFFFFFFC0];
	[tilespmem:s15+$0xFFFFFFF0] =	vst v8;
	v7 =	vadd.f32 v10, v7  }
0x40b: {  	_ =	sdelay $0x1  }
0x40c: {  	v2 =	vadd.f32 v4, v2  }
0x40d: {  	[tilespmem:s15+$0x0] =	vst v7;
	v3 =	vadd.f32 v6, v3  }
0x40e: {  	[tilespmem:s15+$0x10] =	vst v2;
	v1 =	vadd.f32 v1, v5  }
0x40f: {  	[tilespmem:s15+$0x20] =	vst v3  }
0x410: {  	[tilespmem:s15+$0xFFFFFFC0] =	vst v1  }
0x411: {  	_ =	swait.ge [sflag:s13], $0x400  }
0x412: {  	[sflag:s13] =	ssyncset.done $0x0  }
0x413: {  	s15 =	simm.s32 $0x1EB40;
	[sflag:s13] =	ssyncadd.s32 $0xFFFFFC00  }
0x414: {  	[tilespmem:s7], [sflag:$0x1] =	stream.linear.gather [spmem:s6], $0x400, $0x38;
	[tilespmem:$0x1FF80] =	vst v63  }
0x415: {  	s3 =	simm.s32 $0x1EF40;
	v2 =	vld [tilespmem:s15+$0x30]  }
0x416: {  	v3 =	vld [tilespmem:s3+$0x30]  }
0x417: {  	v1 =	vld [tilespmem:s3+$0xFFFFFFC0]  }
0x418: {  	v4 =	vld [tilespmem:s15+$0xFFFFFFD0]  }
0x419: {  	v5 =	vld [tilespmem:s3+$0xFFFFFFD0]  }
0x41a: {  	v6 =	vld [tilespmem:s15+$0xFFFFFFE0]  }
0x41b: {  	v7 =	vld [tilespmem:s3+$0xFFFFFFE0]  }
0x41c: {  	v8 =	vld [tilespmem:s15+$0xFFFFFFF0]  }
0x41d: {  	v9 =	vld [tilespmem:s3+$0xFFFFFFF0]  }
0x41e: {  	v10 =	vld [tilespmem:s15+$0x0]  }
0x41f: {  	v11 =	vld [tilespmem:s3+$0x0];
	v3 =	vadd.f32 v3, v2  }
0x420: {  	v5 =	vadd.f32 v5, v4;
	v2 =	vld [tilespmem:s15+$0x10]  }
0x421: {  	v6 =	vadd.f32 v7, v6;
	v4 =	vld [tilespmem:s3+$0x10];
	[tilespmem:s15+$0x30] =	vst v3  }
0x422: {  	v7 =	vadd.f32 v9, v8;
	[tilespmem:s15+$0xFFFFFFD0] =	vst v5;
	v3 =	vld [tilespmem:s15+$0x20]  }
0x423: {  	[tilespmem:s15+$0xFFFFFFE0] =	vst v6;
	v6 =	vld [tilespmem:s3+$0x20]  }
0x424: {  	s16 =	simm.s32 $0x0;
	s22 =	simm.s32 $0x1EBC0;
	v5 =	vld [tilespmem:s15+$0xFFFFFFC0];
	[tilespmem:s15+$0xFFFFFFF0] =	vst v7;
	v7 =	vadd.f32 v11, v10  }
.LBB2_38:
0x425: {  	v8 =	vld [tilespmem:s22+$0x30];
	s3 =	sadd.s32 $0x80, s3  }
0x426: {  	s16 =	sadd.s32 $0x80, s16;
	v9 =	vld [tilespmem:s3+$0x30];
	[tilespmem:s15+$0x0] =	vst v7;
	v2 =	vadd.f32 v4, v2  }
0x427: {  	p1 =	slt.u32 s16, $0x380;
	v4 =	vld [tilespmem:s3+$0xFFFFFFC0]  }
0x428: {  	v7 =	vld [tilespmem:s22+$0xFFFFFFD0];
	[tilespmem:s15+$0x10] =	vst v2;
	v2 =	vadd.f32 v6, v3  }
0x429: {  	v3 =	vld [tilespmem:s3+$0xFFFFFFD0];
	v10 =	vadd.f32 v1, v5  }
0x42a: {  	v5 =	vld [tilespmem:s22+$0xFFFFFFE0];
	[tilespmem:s15+$0x20] =	vst v2  }
0x42b: {  	v2 =	vld [tilespmem:s3+$0xFFFFFFE0];
	v6 =	vadd.f32 v9, v8;
	[tilespmem:s15+$0xFFFFFFC0] =	vst v10;
	s15 =	smov.u32 s22  }
0x42c: {  	v8 =	vld [tilespmem:s22+$0xFFFFFFF0];
	v1 =	vmov v4  }
0x42d: {  	v9 =	vld [tilespmem:s3+$0xFFFFFFF0];
	[tilespmem:s22+$0x30] =	vst v6  }
0x42e: {  	v3 =	vadd.f32 v3, v7;
	v7 =	vld [tilespmem:s22+$0x0]  }
0x42f: {  	v10 =	vld [tilespmem:s3+$0x0]  }
.Ltmp18:
0x430: {  	[tilespmem:s22+$0xFFFFFFD0] =	vst v3;
	v3 =	vadd.f32 v2, v5;
	v2 =	vld [tilespmem:s22+$0x10];
	(pc) =	sbr.rel @p1 .LBB2_38-.Ltmp18, $4  }
0x431: {  	v4 =	vld [tilespmem:s3+$0x10]  }
0x432: {  	[tilespmem:s22+$0xFFFFFFE0] =	vst v3;
	v8 =	vadd.f32 v9, v8;
	v3 =	vld [tilespmem:s22+$0x20]  }
0x433: {  	v6 =	vld [tilespmem:s3+$0x20]  }
0x434: {  	s22 =	sadd.s32 $0x80, s22;
	v5 =	vld [tilespmem:s15+$0xFFFFFFC0];
	[tilespmem:s15+$0xFFFFFFF0] =	vst v8;
	v7 =	vadd.f32 v10, v7  }
0x435: {  	_ =	sdelay $0x1  }
0x436: {  	v2 =	vadd.f32 v4, v2  }
0x437: {  	[tilespmem:s15+$0x0] =	vst v7;
	v3 =	vadd.f32 v6, v3  }
0x438: {  	[tilespmem:s15+$0x10] =	vst v2;
	v1 =	vadd.f32 v1, v5  }
0x439: {  	[tilespmem:s15+$0x20] =	vst v3  }
0x43a: {  	[tilespmem:s15+$0xFFFFFFC0] =	vst v1  }
0x43b: {  	_ =	swait.ge [sflag:s13], $0x400  }
0x43c: {  	[sflag:s13] =	ssyncset.done $0x0  }
0x43d: {  	s15 =	simm.s32 $0x1EB40;
	[sflag:s13] =	ssyncadd.s32 $0xFFFFFC00  }
0x43e: {  	[tilespmem:s19], [sflag:$0x1] =	stream.linear.gather [spmem:s8], $0x400, $0x38;
	[tilespmem:$0x1FF80] =	vst v63  }
0x43f: {  	s3 =	simm.s32 $0x1F340;
	v2 =	vld [tilespmem:s15+$0x30]  }
0x440: {  	v3 =	vld [tilespmem:s3+$0x30]  }
0x441: {  	v1 =	vld [tilespmem:s3+$0xFFFFFFC0]  }
0x442: {  	v4 =	vld [tilespmem:s15+$0xFFFFFFD0]  }
0x443: {  	v5 =	vld [tilespmem:s3+$0xFFFFFFD0]  }
0x444: {  	v6 =	vld [tilespmem:s15+$0xFFFFFFE0]  }
0x445: {  	v7 =	vld [tilespmem:s3+$0xFFFFFFE0]  }
0x446: {  	v8 =	vld [tilespmem:s15+$0xFFFFFFF0]  }
0x447: {  	v9 =	vld [tilespmem:s3+$0xFFFFFFF0]  }
0x448: {  	v10 =	vld [tilespmem:s15+$0x0]  }
0x449: {  	v11 =	vld [tilespmem:s3+$0x0];
	v3 =	vadd.f32 v3, v2  }
0x44a: {  	v5 =	vadd.f32 v5, v4;
	v2 =	vld [tilespmem:s15+$0x10]  }
0x44b: {  	v6 =	vadd.f32 v7, v6;
	v4 =	vld [tilespmem:s3+$0x10];
	[tilespmem:s15+$0x30] =	vst v3  }
0x44c: {  	v7 =	vadd.f32 v9, v8;
	[tilespmem:s15+$0xFFFFFFD0] =	vst v5;
	v3 =	vld [tilespmem:s15+$0x20]  }
0x44d: {  	[tilespmem:s15+$0xFFFFFFE0] =	vst v6;
	v6 =	vld [tilespmem:s3+$0x20]  }
0x44e: {  	s16 =	simm.s32 $0x0;
	s22 =	simm.s32 $0x1EBC0;
	v5 =	vld [tilespmem:s15+$0xFFFFFFC0];
	[tilespmem:s15+$0xFFFFFFF0] =	vst v7;
	v7 =	vadd.f32 v11, v10  }
.LBB2_40:
0x44f: {  	v8 =	vld [tilespmem:s22+$0x30];
	s3 =	sadd.s32 $0x80, s3  }
0x450: {  	s16 =	sadd.s32 $0x80, s16;
	v9 =	vld [tilespmem:s3+$0x30];
	[tilespmem:s15+$0x0] =	vst v7;
	v2 =	vadd.f32 v4, v2  }
0x451: {  	p1 =	slt.u32 s16, $0x380;
	v4 =	vld [tilespmem:s3+$0xFFFFFFC0]  }
0x452: {  	v7 =	vld [tilespmem:s22+$0xFFFFFFD0];
	[tilespmem:s15+$0x10] =	vst v2;
	v2 =	vadd.f32 v6, v3  }
0x453: {  	v3 =	vld [tilespmem:s3+$0xFFFFFFD0];
	v10 =	vadd.f32 v1, v5  }
0x454: {  	v5 =	vld [tilespmem:s22+$0xFFFFFFE0];
	[tilespmem:s15+$0x20] =	vst v2  }
0x455: {  	v2 =	vld [tilespmem:s3+$0xFFFFFFE0];
	v6 =	vadd.f32 v9, v8;
	[tilespmem:s15+$0xFFFFFFC0] =	vst v10;
	s15 =	smov.u32 s22  }
0x456: {  	v8 =	vld [tilespmem:s22+$0xFFFFFFF0];
	v1 =	vmov v4  }
0x457: {  	v9 =	vld [tilespmem:s3+$0xFFFFFFF0];
	[tilespmem:s22+$0x30] =	vst v6  }
0x458: {  	v3 =	vadd.f32 v3, v7;
	v7 =	vld [tilespmem:s22+$0x0]  }
0x459: {  	v10 =	vld [tilespmem:s3+$0x0]  }
.Ltmp19:
0x45a: {  	[tilespmem:s22+$0xFFFFFFD0] =	vst v3;
	v3 =	vadd.f32 v2, v5;
	v2 =	vld [tilespmem:s22+$0x10];
	(pc) =	sbr.rel @p1 .LBB2_40-.Ltmp19, $4  }
0x45b: {  	v4 =	vld [tilespmem:s3+$0x10]  }
0x45c: {  	[tilespmem:s22+$0xFFFFFFE0] =	vst v3;
	v8 =	vadd.f32 v9, v8;
	v3 =	vld [tilespmem:s22+$0x20]  }
0x45d: {  	v6 =	vld [tilespmem:s3+$0x20]  }
0x45e: {  	s22 =	sadd.s32 $0x80, s22;
	v5 =	vld [tilespmem:s15+$0xFFFFFFC0];
	[tilespmem:s15+$0xFFFFFFF0] =	vst v8;
	v7 =	vadd.f32 v10, v7  }
0x45f: {  	_ =	sdelay $0x1  }
0x460: {  	v2 =	vadd.f32 v4, v2  }
0x461: {  	[tilespmem:s15+$0x0] =	vst v7;
	v3 =	vadd.f32 v6, v3  }
0x462: {  	[tilespmem:s15+$0x10] =	vst v2;
	v1 =	vadd.f32 v1, v5  }
0x463: {  	[tilespmem:s15+$0x20] =	vst v3  }
0x464: {  	[tilespmem:s15+$0xFFFFFFC0] =	vst v1  }
0x465: {  	_ =	swait.ge [sflag:s13], $0x400  }
0x466: {  	[sflag:s13] =	ssyncset.done $0x0  }
0x467: {  	s15 =	simm.s32 $0x1EB40;
	[sflag:s13] =	ssyncadd.s32 $0xFFFFFC00  }
0x468: {  	s3 =	simm.s32 $0x1F740;
	v2 =	vld [tilespmem:s15+$0x30]  }
0x469: {  	v3 =	vld [tilespmem:s3+$0x30]  }
0x46a: {  	v1 =	vld [tilespmem:s3+$0xFFFFFFC0]  }
0x46b: {  	v4 =	vld [tilespmem:s15+$0xFFFFFFD0]  }
0x46c: {  	v5 =	vld [tilespmem:s3+$0xFFFFFFD0]  }
0x46d: {  	v6 =	vld [tilespmem:s15+$0xFFFFFFE0]  }
0x46e: {  	v7 =	vld [tilespmem:s3+$0xFFFFFFE0]  }
0x46f: {  	v8 =	vld [tilespmem:s15+$0xFFFFFFF0]  }
0x470: {  	v9 =	vld [tilespmem:s3+$0xFFFFFFF0]  }
0x471: {  	v10 =	vld [tilespmem:s15+$0x0]  }
0x472: {  	v11 =	vld [tilespmem:s3+$0x0];
	v3 =	vadd.f32 v3, v2  }
0x473: {  	v5 =	vadd.f32 v5, v4;
	v2 =	vld [tilespmem:s15+$0x10]  }
0x474: {  	v6 =	vadd.f32 v7, v6;
	v4 =	vld [tilespmem:s3+$0x10];
	[tilespmem:s15+$0x30] =	vst v3  }
0x475: {  	v7 =	vadd.f32 v9, v8;
	[tilespmem:s15+$0xFFFFFFD0] =	vst v5;
	v3 =	vld [tilespmem:s15+$0x20]  }
0x476: {  	[tilespmem:s15+$0xFFFFFFE0] =	vst v6;
	v6 =	vld [tilespmem:s3+$0x20]  }
0x477: {  	s16 =	simm.s32 $0x0;
	s22 =	simm.s32 $0x1EBC0;
	v5 =	vld [tilespmem:s15+$0xFFFFFFC0];
	[tilespmem:s15+$0xFFFFFFF0] =	vst v7;
	v7 =	vadd.f32 v11, v10  }
.LBB2_42:
0x478: {  	v8 =	vld [tilespmem:s22+$0x30];
	s3 =	sadd.s32 $0x80, s3  }
0x479: {  	s16 =	sadd.s32 $0x80, s16;
	v9 =	vld [tilespmem:s3+$0x30];
	[tilespmem:s15+$0x0] =	vst v7;
	v2 =	vadd.f32 v4, v2  }
0x47a: {  	p1 =	slt.u32 s16, $0x380;
	v4 =	vld [tilespmem:s3+$0xFFFFFFC0]  }
0x47b: {  	v7 =	vld [tilespmem:s22+$0xFFFFFFD0];
	[tilespmem:s15+$0x10] =	vst v2;
	v2 =	vadd.f32 v6, v3  }
0x47c: {  	v3 =	vld [tilespmem:s3+$0xFFFFFFD0];
	v10 =	vadd.f32 v1, v5  }
0x47d: {  	v5 =	vld [tilespmem:s22+$0xFFFFFFE0];
	[tilespmem:s15+$0x20] =	vst v2  }
0x47e: {  	v2 =	vld [tilespmem:s3+$0xFFFFFFE0];
	v6 =	vadd.f32 v9, v8;
	[tilespmem:s15+$0xFFFFFFC0] =	vst v10;
	s15 =	smov.u32 s22  }
0x47f: {  	v8 =	vld [tilespmem:s22+$0xFFFFFFF0];
	v1 =	vmov v4  }
0x480: {  	v9 =	vld [tilespmem:s3+$0xFFFFFFF0];
	[tilespmem:s22+$0x30] =	vst v6  }
0x481: {  	v3 =	vadd.f32 v3, v7;
	v7 =	vld [tilespmem:s22+$0x0]  }
0x482: {  	v10 =	vld [tilespmem:s3+$0x0]  }
.Ltmp20:
0x483: {  	[tilespmem:s22+$0xFFFFFFD0] =	vst v3;
	v3 =	vadd.f32 v2, v5;
	v2 =	vld [tilespmem:s22+$0x10];
	(pc) =	sbr.rel @p1 .LBB2_42-.Ltmp20, $4  }
0x484: {  	v4 =	vld [tilespmem:s3+$0x10]  }
0x485: {  	[tilespmem:s22+$0xFFFFFFE0] =	vst v3;
	v8 =	vadd.f32 v9, v8;
	v3 =	vld [tilespmem:s22+$0x20]  }
0x486: {  	v6 =	vld [tilespmem:s3+$0x20]  }
0x487: {  	s22 =	sadd.s32 $0x80, s22;
	v5 =	vld [tilespmem:s15+$0xFFFFFFC0];
	[tilespmem:s15+$0xFFFFFFF0] =	vst v8;
	v7 =	vadd.f32 v10, v7  }
0x488: {  	_ =	sdelay $0x1  }
0x489: {  	v2 =	vadd.f32 v4, v2  }
0x48a: {  	[tilespmem:s15+$0x0] =	vst v7;
	v3 =	vadd.f32 v6, v3  }
0x48b: {  	[tilespmem:s15+$0x10] =	vst v2;
	v1 =	vadd.f32 v1, v5  }
0x48c: {  	[tilespmem:s15+$0x20] =	vst v3  }
0x48d: {  	[tilespmem:s15+$0xFFFFFFC0] =	vst v1  }
0x48e: {  	_ =	swait.ge [sflag:s13], $0x400  }
0x48f: {  	[sflag:s13] =	ssyncset.done $0x0  }
0x490: {  	s15 =	simm.s32 $0x1EB40;
	[sflag:s13] =	ssyncadd.s32 $0xFFFFFC00  }
0x491: {  	s3 =	simm.s32 $0x1FB40;
	v2 =	vld [tilespmem:s15+$0x30]  }
0x492: {  	v3 =	vld [tilespmem:s3+$0x30]  }
0x493: {  	v1 =	vld [tilespmem:s3+$0xFFFFFFC0]  }
0x494: {  	v4 =	vld [tilespmem:s15+$0xFFFFFFD0]  }
0x495: {  	v5 =	vld [tilespmem:s3+$0xFFFFFFD0]  }
0x496: {  	v6 =	vld [tilespmem:s15+$0xFFFFFFE0]  }
0x497: {  	v7 =	vld [tilespmem:s3+$0xFFFFFFE0]  }
0x498: {  	v8 =	vld [tilespmem:s15+$0xFFFFFFF0]  }
0x499: {  	v9 =	vld [tilespmem:s3+$0xFFFFFFF0]  }
0x49a: {  	v10 =	vld [tilespmem:s15+$0x0]  }
0x49b: {  	v11 =	vld [tilespmem:s3+$0x0];
	v3 =	vadd.f32 v3, v2  }
0x49c: {  	v5 =	vadd.f32 v5, v4;
	v2 =	vld [tilespmem:s15+$0x10]  }
0x49d: {  	v6 =	vadd.f32 v7, v6;
	v4 =	vld [tilespmem:s3+$0x10];
	[tilespmem:s15+$0x30] =	vst v3  }
0x49e: {  	v7 =	vadd.f32 v9, v8;
	[tilespmem:s15+$0xFFFFFFD0] =	vst v5;
	v3 =	vld [tilespmem:s15+$0x20]  }
0x49f: {  	[tilespmem:s15+$0xFFFFFFE0] =	vst v6;
	v6 =	vld [tilespmem:s3+$0x20]  }
0x4a0: {  	s16 =	simm.s32 $0x0;
	s22 =	simm.s32 $0x1EBC0;
	v5 =	vld [tilespmem:s15+$0xFFFFFFC0];
	[tilespmem:s15+$0xFFFFFFF0] =	vst v7;
	v7 =	vadd.f32 v11, v10  }
.LBB2_44:
0x4a1: {  	v8 =	vld [tilespmem:s22+$0x30];
	s3 =	sadd.s32 $0x80, s3  }
0x4a2: {  	s16 =	sadd.s32 $0x80, s16;
	v9 =	vld [tilespmem:s3+$0x30];
	[tilespmem:s15+$0x0] =	vst v7;
	v2 =	vadd.f32 v4, v2  }
0x4a3: {  	p1 =	slt.u32 s16, $0x380;
	v4 =	vld [tilespmem:s3+$0xFFFFFFC0]  }
0x4a4: {  	v7 =	vld [tilespmem:s22+$0xFFFFFFD0];
	[tilespmem:s15+$0x10] =	vst v2;
	v2 =	vadd.f32 v6, v3  }
0x4a5: {  	v3 =	vld [tilespmem:s3+$0xFFFFFFD0];
	v10 =	vadd.f32 v1, v5  }
0x4a6: {  	v5 =	vld [tilespmem:s22+$0xFFFFFFE0];
	[tilespmem:s15+$0x20] =	vst v2  }
0x4a7: {  	v2 =	vld [tilespmem:s3+$0xFFFFFFE0];
	v6 =	vadd.f32 v9, v8;
	[tilespmem:s15+$0xFFFFFFC0] =	vst v10;
	s15 =	smov.u32 s22  }
0x4a8: {  	v8 =	vld [tilespmem:s22+$0xFFFFFFF0];
	v1 =	vmov v4  }
0x4a9: {  	v9 =	vld [tilespmem:s3+$0xFFFFFFF0];
	[tilespmem:s22+$0x30] =	vst v6  }
0x4aa: {  	v3 =	vadd.f32 v3, v7;
	v7 =	vld [tilespmem:s22+$0x0]  }
0x4ab: {  	v10 =	vld [tilespmem:s3+$0x0]  }
.Ltmp21:
0x4ac: {  	[tilespmem:s22+$0xFFFFFFD0] =	vst v3;
	v3 =	vadd.f32 v2, v5;
	v2 =	vld [tilespmem:s22+$0x10];
	(pc) =	sbr.rel @p1 .LBB2_44-.Ltmp21, $4  }
0x4ad: {  	v4 =	vld [tilespmem:s3+$0x10]  }
0x4ae: {  	[tilespmem:s22+$0xFFFFFFE0] =	vst v3;
	v8 =	vadd.f32 v9, v8;
	v3 =	vld [tilespmem:s22+$0x20]  }
0x4af: {  	v6 =	vld [tilespmem:s3+$0x20]  }
0x4b0: {  	s22 =	sadd.s32 $0x80, s22;
	v5 =	vld [tilespmem:s15+$0xFFFFFFC0];
	[tilespmem:s15+$0xFFFFFFF0] =	vst v8;
	v7 =	vadd.f32 v10, v7  }
0x4b1: {  	_ =	sdelay $0x1  }
0x4b2: {  	v2 =	vadd.f32 v4, v2  }
0x4b3: {  	[tilespmem:s15+$0x0] =	vst v7;
	v3 =	vadd.f32 v6, v3  }
0x4b4: {  	[tilespmem:s15+$0x10] =	vst v2;
	v1 =	vadd.f32 v1, v5  }
0x4b5: {  	[tilespmem:s15+$0x20] =	vst v3  }
0x4b6: {  	[tilespmem:s15+$0xFFFFFFC0] =	vst v1  }
0x4b7: {  	_ =	swait.ge [sflag:s13], $0x400  }
0x4b8: {  	[sflag:s13] =	ssyncset.done $0x0  }
0x4b9: {  	s15 =	simm.s32 $0x1EB40;
	[sflag:s13] =	ssyncadd.s32 $0xFFFFFC00  }
0x4ba: {  	s3 =	simm.s32 $0x1EF40;
	v2 =	vld [tilespmem:s15+$0x30]  }
0x4bb: {  	v3 =	vld [tilespmem:s3+$0x30]  }
0x4bc: {  	v1 =	vld [tilespmem:s3+$0xFFFFFFC0]  }
0x4bd: {  	v4 =	vld [tilespmem:s15+$0xFFFFFFD0]  }
0x4be: {  	v5 =	vld [tilespmem:s3+$0xFFFFFFD0]  }
0x4bf: {  	v6 =	vld [tilespmem:s15+$0xFFFFFFE0]  }
0x4c0: {  	v7 =	vld [tilespmem:s3+$0xFFFFFFE0]  }
0x4c1: {  	v8 =	vld [tilespmem:s15+$0xFFFFFFF0]  }
0x4c2: {  	v9 =	vld [tilespmem:s3+$0xFFFFFFF0]  }
0x4c3: {  	v10 =	vld [tilespmem:s15+$0x0]  }
0x4c4: {  	v11 =	vld [tilespmem:s3+$0x0];
	v3 =	vadd.f32 v3, v2  }
0x4c5: {  	v5 =	vadd.f32 v5, v4;
	v2 =	vld [tilespmem:s15+$0x10]  }
0x4c6: {  	v6 =	vadd.f32 v7, v6;
	v4 =	vld [tilespmem:s3+$0x10];
	[tilespmem:s15+$0x30] =	vst v3  }
0x4c7: {  	v7 =	vadd.f32 v9, v8;
	[tilespmem:s15+$0xFFFFFFD0] =	vst v5;
	v3 =	vld [tilespmem:s15+$0x20]  }
0x4c8: {  	[tilespmem:s15+$0xFFFFFFE0] =	vst v6;
	v6 =	vld [tilespmem:s3+$0x20]  }
0x4c9: {  	s16 =	simm.s32 $0x0;
	s22 =	simm.s32 $0x1EBC0;
	v5 =	vld [tilespmem:s15+$0xFFFFFFC0];
	[tilespmem:s15+$0xFFFFFFF0] =	vst v7;
	v7 =	vadd.f32 v11, v10  }
.LBB2_46:
0x4ca: {  	v8 =	vld [tilespmem:s22+$0x30];
	s3 =	sadd.s32 $0x80, s3  }
0x4cb: {  	s16 =	sadd.s32 $0x80, s16;
	v9 =	vld [tilespmem:s3+$0x30];
	[tilespmem:s15+$0x0] =	vst v7;
	v2 =	vadd.f32 v4, v2  }
0x4cc: {  	p1 =	slt.u32 s16, $0x380;
	v4 =	vld [tilespmem:s3+$0xFFFFFFC0]  }
0x4cd: {  	v7 =	vld [tilespmem:s22+$0xFFFFFFD0];
	[tilespmem:s15+$0x10] =	vst v2;
	v2 =	vadd.f32 v6, v3  }
0x4ce: {  	v3 =	vld [tilespmem:s3+$0xFFFFFFD0];
	v10 =	vadd.f32 v1, v5  }
0x4cf: {  	v5 =	vld [tilespmem:s22+$0xFFFFFFE0];
	[tilespmem:s15+$0x20] =	vst v2  }
0x4d0: {  	v2 =	vld [tilespmem:s3+$0xFFFFFFE0];
	v6 =	vadd.f32 v9, v8;
	[tilespmem:s15+$0xFFFFFFC0] =	vst v10;
	s15 =	smov.u32 s22  }
0x4d1: {  	v8 =	vld [tilespmem:s22+$0xFFFFFFF0];
	v1 =	vmov v4  }
0x4d2: {  	v9 =	vld [tilespmem:s3+$0xFFFFFFF0];
	[tilespmem:s22+$0x30] =	vst v6  }
0x4d3: {  	v3 =	vadd.f32 v3, v7;
	v7 =	vld [tilespmem:s22+$0x0]  }
0x4d4: {  	v10 =	vld [tilespmem:s3+$0x0]  }
.Ltmp22:
0x4d5: {  	[tilespmem:s22+$0xFFFFFFD0] =	vst v3;
	v3 =	vadd.f32 v2, v5;
	v2 =	vld [tilespmem:s22+$0x10];
	(pc) =	sbr.rel @p1 .LBB2_46-.Ltmp22, $4  }
0x4d6: {  	v4 =	vld [tilespmem:s3+$0x10]  }
0x4d7: {  	[tilespmem:s22+$0xFFFFFFE0] =	vst v3;
	v8 =	vadd.f32 v9, v8;
	v3 =	vld [tilespmem:s22+$0x20]  }
0x4d8: {  	v6 =	vld [tilespmem:s3+$0x20]  }
0x4d9: {  	s22 =	sadd.s32 $0x80, s22;
	v5 =	vld [tilespmem:s15+$0xFFFFFFC0];
	[tilespmem:s15+$0xFFFFFFF0] =	vst v8;
	v7 =	vadd.f32 v10, v7  }
0x4da: {  	_ =	sdelay $0x1  }
0x4db: {  	v2 =	vadd.f32 v4, v2  }
0x4dc: {  	[tilespmem:s15+$0x0] =	vst v7;
	v3 =	vadd.f32 v6, v3  }
0x4dd: {  	s12 =	sadd.s32 $0x1, s12;
	[tilespmem:s15+$0x10] =	vst v2;
	v1 =	vadd.f32 v1, v5  }
0x4de: {  	p1 =	sne.s32 s12, s24;
	[tilespmem:s15+$0x20] =	vst v3  }
.Ltmp23:
0x4df: {  	s3 =	simm.s32 $0x100;
	s22 =	simm.s32 $0x1EB00;
	[tilespmem:s15+$0xFFFFFFC0] =	vst v1;
	(pc) =	sbr.rel @p1 .LBB2_1-.Ltmp23, $4  }
0x4e0: {  	[hbm4b:s23+s9] =	stream.strided.scatter [tilespmem:s22], [sflag:$0x5], $0x400, s3, s9, $0x38;
	[tilespmem:$0x1FF80] =	vst v63  }
0x4e1: {  	_ =	swait.ge [sflag:s11], $0x400  }
0x4e2: {  	[sflag:s11] =	ssyncset.done $0x0  }
0x4e3: {  	[sflag:s11] =	ssyncadd.s32 $0xFFFFFC00  }
0x4e4: {  	_ =	sfence.sel $0x180000  }
0x4e5: {  	[bflag:$0x0] =	sbarrier.arrive $0xFFFF  }
0x4e6: {  	_ =	strace $0x90000047  }
0x4e7: {  	s0 =	stileid.u32;
	[bflag:$0x2] =	sbarrier.arrive $0xFFFF  }
0x4e8: {  	p0 =	sne.s32 s0, $0x0;
	s0 =	rddreg [dreg:$0x3]  }
0x4e9: {  	s0 =	sadd.s32 @!p0 $0x100000, s0  }
0x4ea: {  	[sflag:s0] =	ssyncadd.tile.s32 @!p0 $0x1;
	_ =	shalt  }
.Lfunc_end2:
_tile_overlayer_lowered:
.L_overlay_start_2:
0x4eb: {  	(tag) =	ssettag $0x2  }
0x4ec: {  	s0 =	rddreg [dreg:$0x0];
	s2 =	stileid.u32  }
0x4ed: {  	s1 =	rddreg [dreg:$0x1];
	p0 =	sne.s32 s2, $0x0  }
0x4ee: {  	s3 =	rddreg [dreg:$0x2];
	[bflag:$0x3] =	sbarrier.arrive $0xFFFF;
	s2 =	simm.s32 @!p0 $0x1C05  }
0x4ef: {  	[timem:s3], [sflag:s2] =	dma.local @!p0 [hbm:s0], s1  }
0x4f0: {  	s0 =	simm.s32 @!p0 $0x5  }
0x4f1: {  	_ =	swait.ge @!p0 [sflag:s0], s1  }
0x4f2: {  	s1 =	ssub.s32 @!p0 $0x0, s1;
	[sflag:s0] =	ssyncset.done @!p0 $0x0  }
0x4f3: {  	[sflag:s0] =	ssyncadd.s32 @!p0 s1  }
0x4f4: {  	[bflag:$0x3] =	sbarrier.arrive $0xFFFF  }
0x4f5: {  	_ =	shalt  }

</sc_bundles>
